<compile_context>
chip_gen: v7x
topology: tpu7x:2x2x1
jax: 0.10.2.dev20260603
libtpu: 0.0.44.dev20260713+nightly
codegen_flags: <defaults>
</compile_context>

<pallas_src>
import dataclasses
import functools

import jax
import jax.numpy as jnp
from jax import lax
from jax.experimental import pallas as pl
from jax.experimental.pallas import tpu as pltpu
from jax.experimental.pallas import tpu_sc as plsc

NC = 2
NS = 16
NW = NC * NS
BLK = 128



def _deg_kernel(np_, nblk):
  hrows = np_ // BLK
  rps = 8
  nw_io = hrows // rps
  mesh = plsc.VectorSubcoreMesh(core_axis_name="c", subcore_axis_name="s")
  cp = pltpu.CompilerParams()
  if "needs_layout_passes" in pltpu.CompilerParams.__dataclass_fields__:
    cp = dataclasses.replace(cp, needs_layout_passes=False)

  def body(dst_hbm, iota_hbm, zeros_hbm, out_hbm, idx_d, hist_v, idx80_v,
           acc_sh):
    cid = lax.axis_index("c")
    sid = lax.axis_index("s")
    wid = cid * NS + sid
    pltpu.sync_copy(dst_hbm.at[pl.ds(wid * nblk, nblk)], idx_d)
    pltpu.sync_copy(zeros_hbm, hist_v)
    pltpu.sync_copy(iota_hbm, idx80_v)

    @pl.when(sid < nw_io)
    def _():
      pltpu.sync_copy(zeros_hbm.at[pl.ds(0, rps)],
                      acc_sh.at[pl.ds(sid * rps, rps)])

    plsc.subcore_barrier()

    ones16 = jnp.ones((16,), jnp.float32)

    @pl.loop(0, nblk)
    def _(j):
      for k in range(BLK // 16):
        dvec = idx_d[j, pl.ds(k * 16, 16)]
        plsc.addupdate_scatter(
            hist_v, [jnp.right_shift(dvec, 7), jnp.bitwise_and(dvec, 127)],
            ones16)

    pltpu.sync_copy(hist_v, acc_sh.at[idx80_v], add=True)
    plsc.subcore_barrier()

    @pl.when(sid < nw_io)
    def _():
      pltpu.sync_copy(acc_sh.at[pl.ds(sid * rps, rps)],
                      out_hbm.at[pl.ds(cid * hrows + sid * rps, rps)])

  return pl.kernel(
      body, mesh=mesh, compiler_params=cp,
      out_type=jax.ShapeDtypeStruct((NC * hrows, BLK), jnp.float32),
      scratch_types=[
          pltpu.VMEM((nblk, BLK), jnp.int32),
          pltpu.VMEM((hrows, BLK), jnp.float32),
          pltpu.VMEM((hrows,), jnp.int32),
          pltpu.VMEM_SHARED((hrows, BLK), jnp.float32),
      ])


def _edge_scatter_kernel(np_, d, nblk):
  rps = np_ // NS
  mesh = plsc.VectorSubcoreMesh(core_axis_name="c", subcore_axis_name="s")

  def body(g_hbm, src_hbm, dst_hbm, zeros_hbm, out_hbm, idx_s, idx_d,
           rows0, rows1, sem0, sem1, acc_sh):
    cid = lax.axis_index("c")
    sid = lax.axis_index("s")
    wid = cid * NS + sid
    pltpu.sync_copy(src_hbm.at[pl.ds(wid * nblk, nblk)], idx_s)
    pltpu.sync_copy(dst_hbm.at[pl.ds(wid * nblk, nblk)], idx_d)
    pltpu.async_copy(g_hbm.at[idx_s.at[0]], rows0, sem0)
    pltpu.async_copy(g_hbm.at[idx_s.at[1]], rows1, sem1)
    pltpu.sync_copy(zeros_hbm, acc_sh.at[pl.ds(sid * rps, rps)])
    plsc.subcore_barrier()

    @pl.loop(0, nblk // 2 - 1)
    def _(jj):
      j0 = 2 * jj
      pltpu.make_async_copy(g_hbm.at[idx_s.at[j0]], rows0, sem0).wait()
      pltpu.sync_copy(rows0, acc_sh.at[idx_d.at[j0]], add=True)
      pltpu.async_copy(g_hbm.at[idx_s.at[j0 + 2]], rows0, sem0)
      pltpu.make_async_copy(g_hbm.at[idx_s.at[j0 + 1]], rows1, sem1).wait()
      pltpu.sync_copy(rows1, acc_sh.at[idx_d.at[j0 + 1]], add=True)
      pltpu.async_copy(g_hbm.at[idx_s.at[j0 + 3]], rows1, sem1)

    pltpu.make_async_copy(g_hbm.at[idx_s.at[nblk - 2]], rows0, sem0).wait()
    pltpu.sync_copy(rows0, acc_sh.at[idx_d.at[nblk - 2]], add=True)
    pltpu.make_async_copy(g_hbm.at[idx_s.at[nblk - 1]], rows1, sem1).wait()
    pltpu.sync_copy(rows1, acc_sh.at[idx_d.at[nblk - 1]], add=True)

    plsc.subcore_barrier()
    pltpu.sync_copy(acc_sh.at[pl.ds(sid * rps, rps)],
                    out_hbm.at[pl.ds(cid * np_ + sid * rps, rps)])

  return pl.kernel(
      body, mesh=mesh,
      out_type=jax.ShapeDtypeStruct((NC * np_, d), jnp.float32),
      scratch_types=[
          pltpu.VMEM((nblk, BLK), jnp.int32),
          pltpu.VMEM((nblk, BLK), jnp.int32),
          pltpu.VMEM((BLK, d), jnp.float32),
          pltpu.VMEM((BLK, d), jnp.float32),
          pltpu.SemaphoreType.DMA,
          pltpu.SemaphoreType.DMA,
          pltpu.VMEM_SHARED((np_, d), jnp.float32),
      ])



def _b_body(d0_ref, d1_ref, x_ref, g0_ref, dinv_ref):
  deg = d0_ref[...] + d1_ref[...] + 1.0
  dinv = lax.rsqrt(deg)
  dinv_ref[...] = dinv
  g0_ref[...] = jnp.broadcast_to(dinv, x_ref.shape) * x_ref[...]


def _d_body(s0a_ref, s0b_ref, x_ref, dinv_ref, w1_ref, b1_ref, w2_ref,
            g1_ref, u_ref):
  dinv = jnp.broadcast_to(dinv_ref[...], x_ref.shape)
  y0 = dinv * (s0a_ref[...] + s0b_ref[...]) + dinv * dinv * x_ref[...]
  h = jnp.dot(y0, w1_ref[...], preferred_element_type=jnp.float32) + b1_ref[...]
  z = jnp.maximum(h, 0.0)
  u = jnp.dot(z, w2_ref[...], preferred_element_type=jnp.float32)
  u_ref[...] = u
  g1_ref[...] = dinv * u


def _f_body(s1a_ref, s1b_ref, u_ref, dinv_ref, b2_ref, out_ref):
  dinv = jnp.broadcast_to(dinv_ref[...], u_ref.shape)
  v = dinv * (s1a_ref[...] + s1b_ref[...]) + dinv * dinv * u_ref[...]
  v = v + b2_ref[...]
  d = v.shape[1]
  dd = d // 4
  outs = []
  for k in range(4):
    vk = v[:, k * dd:(k + 1) * dd]
    n2 = jnp.sum(vk * vk, axis=1, keepdims=True)
    nr = jnp.maximum(jnp.sqrt(n2), 1e-12)
    outs.append(vk / nr)
  out_ref[...] = jnp.concatenate(outs, axis=1)



def kernel(edge_index, x_list, ix, aug_loss, W1, b1, W2, b2):
  n, d = x_list.shape
  e = edge_index.shape[1]
  d4 = W1.shape[1]

  np_ = ((n + 1279) // 1280) * 1280
  epw = ((e + NW * 2 * BLK - 1) // (NW * 2 * BLK)) * 2 * BLK
  ep = epw * NW
  nblk = epw // BLK

  pad_idx = (n + jnp.arange(ep - e, dtype=jnp.int32) % (np_ - n)).astype(
      jnp.int32)
  src = jnp.concatenate([edge_index[0], pad_idx]).reshape(ep // BLK, BLK)
  dst = jnp.concatenate([edge_index[1], pad_idx]).reshape(ep // BLK, BLK)
  xp = jnp.pad(x_list, ((0, np_ - n), (0, 0)))
  zerosd = jnp.zeros((np_ // NS, d), jnp.float32)
  hrows = np_ // BLK
  iota80 = jnp.arange(hrows, dtype=jnp.int32)
  zerosh = jnp.zeros((hrows, BLK), jnp.float32)
  b1r = b1.reshape(1, d4)
  b2r = b2.reshape(1, d)

  degp = _deg_kernel(np_, nblk)(dst, iota80, zerosh)
  d0 = degp[:hrows].reshape(np_, 1)
  d1 = degp[hrows:].reshape(np_, 1)

  rb = 1024
  grid = (np_ // rb,)
  g0, dinvb = pl.pallas_call(
      _b_body,
      grid=grid,
      in_specs=[
          pl.BlockSpec((rb, 1), lambda i: (i, 0)),
          pl.BlockSpec((rb, 1), lambda i: (i, 0)),
          pl.BlockSpec((rb, d), lambda i: (i, 0)),
      ],
      out_specs=[
          pl.BlockSpec((rb, d), lambda i: (i, 0)),
          pl.BlockSpec((rb, 1), lambda i: (i, 0)),
      ],
      out_shape=[
          jax.ShapeDtypeStruct((np_, d), jnp.float32),
          jax.ShapeDtypeStruct((np_, 1), jnp.float32),
      ],
  )(d0, d1, xp)

  scat = _edge_scatter_kernel(np_, d, (ep // BLK) // NW)
  s0 = scat(g0, src, dst, zerosd)

  hb = np_ // rb
  g1, u = pl.pallas_call(
      _d_body,
      grid=grid,
      in_specs=[
          pl.BlockSpec((rb, d), lambda i: (i, 0)),
          pl.BlockSpec((rb, d), lambda i: (i + hb, 0)),
          pl.BlockSpec((rb, d), lambda i: (i, 0)),
          pl.BlockSpec((rb, 1), lambda i: (i, 0)),
          pl.BlockSpec((d, d4), lambda i: (0, 0)),
          pl.BlockSpec((1, d4), lambda i: (0, 0)),
          pl.BlockSpec((d4, d), lambda i: (0, 0)),
      ],
      out_specs=[
          pl.BlockSpec((rb, d), lambda i: (i, 0)),
          pl.BlockSpec((rb, d), lambda i: (i, 0)),
      ],
      out_shape=[
          jax.ShapeDtypeStruct((np_, d), jnp.float32),
          jax.ShapeDtypeStruct((np_, d), jnp.float32),
      ],
  )(s0, s0, xp, dinvb, W1, b1r, W2)

  s1 = scat(g1, src, dst, zerosd)

  out = pl.pallas_call(
      _f_body,
      grid=grid,
      in_specs=[
          pl.BlockSpec((rb, d), lambda i: (i, 0)),
          pl.BlockSpec((rb, d), lambda i: (i + hb, 0)),
          pl.BlockSpec((rb, d), lambda i: (i, 0)),
          pl.BlockSpec((rb, 1), lambda i: (i, 0)),
          pl.BlockSpec((1, d), lambda i: (0, 0)),
      ],
      out_specs=pl.BlockSpec((rb, d), lambda i: (i, 0)),
      out_shape=jax.ShapeDtypeStruct((np_, d), jnp.float32),
  )(s1, s1, u, dinvb, b2r)

  return out[:n]

# --- scband reference (transcript-rebuilt; emitter-appended) ---
"""Pipeline reference for scband-dy-gnn-78469052498581 (READ-ONLY COPY).

The authoritative reference and input builder live on the scoring server;
editing this copy changes nothing except your own understanding.
"""

import jax, jax.numpy as jnp
import numpy as np

N = 10000
E = 160000
D = 128
K = 4
DD = D // K  # EAConv computes delta_d = dim // n_factors = 32


def _glorot(key, shape):
    limit = (6.0 / (shape[0] + shape[1])) ** 0.5
    return jax.random.uniform(key, shape, minval=-limit, maxval=limit, dtype=jnp.float32)


def setup_inputs(seed: int = 0) -> dict:
    key = jax.random.key(seed)
    ks = jax.random.split(key, 6)
    x_list = jax.random.normal(ks[0], (N, D), dtype=jnp.float32)
    edge_index = jax.random.randint(ks[1], (2, E), 0, N, dtype=jnp.int32)
    # GCNConv(d, 4d) and GCNConv(4d, d) parameters (PyG-style glorot weights, zero bias)
    W1 = _glorot(ks[2], (D, 4 * D))
    b1 = jnp.zeros((4 * D,), dtype=jnp.float32)
    W2 = _glorot(ks[3], (4 * D, D))
    b2 = jnp.zeros((D,), dtype=jnp.float32)
    return {"edge_index": edge_index, "x_list": x_list, "ix": 0, "aug_loss": 0,
            "W1": W1, "b1": b1, "W2": W2, "b2": b2}


def reference(edge_index, x_list, ix, aug_loss, W1, b1, W2, b2):
    # DyGNN.forward with n_layers=1 -> single EAConv layer, eval mode (dropouts are identity).
    n = x_list.shape[0]
    # GCN normalization with self-loops (standard PyG GCNConv)
    loop = jnp.arange(n, dtype=edge_index.dtype)
    src = jnp.concatenate([edge_index[0], loop])
    dst = jnp.concatenate([edge_index[1], loop])
    ones = jnp.ones(src.shape[0], dtype=x_list.dtype)
    deg = jax.ops.segment_sum(ones, dst, num_segments=n)
    dinv = jnp.where(deg > 0, 1.0 / jnp.sqrt(deg), 0.0)
    norm = dinv[src] * dinv[dst]

    def gcn_conv(h, W, b):
        hw = h @ W
        msg = hw[src] * norm[:, None]           # gather
        out = jax.ops.segment_sum(msg, dst, num_segments=n)  # scatter-add
        return out + b

    h = gcn_conv(x_list, W1, b1)
    z = jax.nn.relu(h)
    z = gcn_conv(z, W2, b2)
    # F.normalize over factor chunks: view(n, k, delta_d), L2 normalize dim=2
    zk = z.reshape(n, K, DD)
    nrm = jnp.sqrt(jnp.sum(zk * zk, axis=2, keepdims=True))
    zk = zk / jnp.maximum(nrm, 1e-12)
    return zk.reshape(n, D)

if __name__ == "__main__":
    import jax
    _d = setup_inputs()
    print(jax.jit(kernel)(*tuple(_d.values())))

</pallas_src>

<mosaic_0001>
#map = affine_map<(d0, d1) -> (0, 0)>
module attributes {stable_mosaic.version = 14 : i64} {
  func.func @body(%arg0: i32, %arg1: i32, %arg2: memref<10240x128xf32, #tpu.memory_space<hbm>>, %arg3: memref<1280x128xi32, #tpu.memory_space<hbm>>, %arg4: memref<1280x128xi32, #tpu.memory_space<hbm>>, %arg5: memref<640x128xf32, #tpu.memory_space<hbm>>, %arg6: memref<20480x128xf32, #tpu.memory_space<hbm>>, %arg7: memref<40x128xi32, #tpu.memory_space<vmem>>, %arg8: memref<40x128xi32, #tpu.memory_space<vmem>>, %arg9: memref<128x128xf32, #tpu.memory_space<vmem>>, %arg10: memref<128x128xf32, #tpu.memory_space<vmem>>, %arg11: memref<!tpu.dma_semaphore, #tpu.memory_space<semaphore_mem>>, %arg12: memref<!tpu.dma_semaphore, #tpu.memory_space<semaphore_mem>>, %arg13: memref<10240x128xf32, #tpu.memory_space<vmem_shared>>) attributes {dimension_semantics = [#tpu.dimension_semantics<core_parallel>, #tpu.dimension_semantics<subcore_parallel>], iteration_bounds = array<i64: 2, 16>, scalar_prefetch = 0 : i64, scratch_operands = 7 : i64, tpu.core_type = #tpu.core_type<sc_vector_subcore>, window_params = [{transform_indices = #map}, {transform_indices = #map}, {transform_indices = #map}, {transform_indices = #map}, {transform_indices = #map}]} {
    %mul3A = arith.constant 16 : i32
    %mul3A_0 = arith.muli %arg0, %mul3A : i32
    %add3A = arith.addi %mul3A_0, %arg1 : i32
    %mul3A_1 = arith.constant 40 : i32
    %mul3A_2 = arith.muli %add3A, %mul3A_1 : i32
    "tpu.region"() ({
      %run_scoped3A_46 = tpu.sem_alloc : memref<!tpu.dma_semaphore, #tpu.memory_space<semaphore_mem>>
      %dma_start3A_47 = arith.constant 0 : i32
      %dma_start3A_48 = tpu.memref_slice %arg3[%mul3A_2, %dma_start3A_47] : memref<1280x128xi32, #tpu.memory_space<hbm>> -> memref<40x128xi32, #tpu.memory_space<hbm>>
      %dma_start3A_49 = arith.constant 0 : i32
      %dma_start3A_50 = tpu.memref_slice %arg3[%mul3A_2, %dma_start3A_49] : memref<1280x128xi32, #tpu.memory_space<hbm>> -> memref<40x128xi32, #tpu.memory_space<hbm>>
      tpu.enqueue_dma source(%dma_start3A_50 : memref<40x128xi32, #tpu.memory_space<hbm>>) target(%arg7 : memref<40x128xi32, #tpu.memory_space<vmem>>) target_semaphore(%run_scoped3A_46 : memref<!tpu.dma_semaphore, #tpu.memory_space<semaphore_mem>>)
      %dma_wait3A_51 = arith.constant 0 : i32
      %dma_wait3A_52 = tpu.memref_slice %arg3[%mul3A_2, %dma_wait3A_51] : memref<1280x128xi32, #tpu.memory_space<hbm>> -> memref<40x128xi32, #tpu.memory_space<hbm>>
      %dma_wait3A_53 = arith.constant 0 : i32
      %dma_wait3A_54 = tpu.memref_slice %arg3[%mul3A_2, %dma_wait3A_53] : memref<1280x128xi32, #tpu.memory_space<hbm>> -> memref<40x128xi32, #tpu.memory_space<hbm>>
      tpu.wait_dma2 semaphore(%run_scoped3A_46 : memref<!tpu.dma_semaphore, #tpu.memory_space<semaphore_mem>>) src(%dma_wait3A_54 : memref<40x128xi32, #tpu.memory_space<hbm>>) dst(%arg7 : memref<40x128xi32, #tpu.memory_space<vmem>>)
      tpu.yield
    }) : () -> ()
    %mul3A_3 = arith.constant 40 : i32
    %mul3A_4 = arith.muli %add3A, %mul3A_3 : i32
    "tpu.region"() ({
      %run_scoped3A_46 = tpu.sem_alloc : memref<!tpu.dma_semaphore, #tpu.memory_space<semaphore_mem>>
      %dma_start3A_47 = arith.constant 0 : i32
      %dma_start3A_48 = tpu.memref_slice %arg4[%mul3A_4, %dma_start3A_47] : memref<1280x128xi32, #tpu.memory_space<hbm>> -> memref<40x128xi32, #tpu.memory_space<hbm>>
      %dma_start3A_49 = arith.constant 0 : i32
      %dma_start3A_50 = tpu.memref_slice %arg4[%mul3A_4, %dma_start3A_49] : memref<1280x128xi32, #tpu.memory_space<hbm>> -> memref<40x128xi32, #tpu.memory_space<hbm>>
      tpu.enqueue_dma source(%dma_start3A_50 : memref<40x128xi32, #tpu.memory_space<hbm>>) target(%arg8 : memref<40x128xi32, #tpu.memory_space<vmem>>) target_semaphore(%run_scoped3A_46 : memref<!tpu.dma_semaphore, #tpu.memory_space<semaphore_mem>>)
      %dma_wait3A_51 = arith.constant 0 : i32
      %dma_wait3A_52 = tpu.memref_slice %arg4[%mul3A_4, %dma_wait3A_51] : memref<1280x128xi32, #tpu.memory_space<hbm>> -> memref<40x128xi32, #tpu.memory_space<hbm>>
      %dma_wait3A_53 = arith.constant 0 : i32
      %dma_wait3A_54 = tpu.memref_slice %arg4[%mul3A_4, %dma_wait3A_53] : memref<1280x128xi32, #tpu.memory_space<hbm>> -> memref<40x128xi32, #tpu.memory_space<hbm>>
      tpu.wait_dma2 semaphore(%run_scoped3A_46 : memref<!tpu.dma_semaphore, #tpu.memory_space<semaphore_mem>>) src(%dma_wait3A_54 : memref<40x128xi32, #tpu.memory_space<hbm>>) dst(%arg8 : memref<40x128xi32, #tpu.memory_space<vmem>>)
      tpu.yield
    }) : () -> ()
    %dma_start3A = arith.constant 0 : i32
    %dma_start3A_5 = arith.constant 0 : i32
    %dma_start3A_6 = tpu.memref_slice %arg7[%dma_start3A, %dma_start3A_5] : memref<40x128xi32, #tpu.memory_space<vmem>> -> memref<1x128xi32, #tpu.memory_space<vmem>>
    %dma_start3A_7 = tpu.memref_squeeze %dma_start3A_6 : memref<1x128xi32, #tpu.memory_space<vmem>> -> memref<128xi32, #tpu.memory_space<vmem>>
    %dma_start3A_8 = arith.constant 0 : i32
    %dma_start3A_9 = arith.constant 0 : i32
    %dma_start3A_10 = tpu.memref_slice %arg2[%dma_start3A_8, %dma_start3A_9] : memref<10240x128xf32, #tpu.memory_space<hbm>> -> memref<10240x128xf32, #tpu.memory_space<hbm>>
    tpu.enqueue_indirect_dma source(%dma_start3A_10 : memref<10240x128xf32, #tpu.memory_space<hbm>>) target(%arg9 : memref<128x128xf32, #tpu.memory_space<vmem>>) offsets(%dma_start3A_7 : memref<128xi32, #tpu.memory_space<vmem>>) semaphore(%arg11 : memref<!tpu.dma_semaphore, #tpu.memory_space<semaphore_mem>>)
    %dma_start3A_11 = arith.constant 1 : i32
    %dma_start3A_12 = arith.constant 0 : i32
    %dma_start3A_13 = tpu.memref_slice %arg7[%dma_start3A_11, %dma_start3A_12] : memref<40x128xi32, #tpu.memory_space<vmem>> -> memref<1x128xi32, #tpu.memory_space<vmem>>
    %dma_start3A_14 = tpu.memref_squeeze %dma_start3A_13 : memref<1x128xi32, #tpu.memory_space<vmem>> -> memref<128xi32, #tpu.memory_space<vmem>>
    %dma_start3A_15 = arith.constant 0 : i32
    %dma_start3A_16 = arith.constant 0 : i32
    %dma_start3A_17 = tpu.memref_slice %arg2[%dma_start3A_15, %dma_start3A_16] : memref<10240x128xf32, #tpu.memory_space<hbm>> -> memref<10240x128xf32, #tpu.memory_space<hbm>>
    tpu.enqueue_indirect_dma source(%dma_start3A_17 : memref<10240x128xf32, #tpu.memory_space<hbm>>) target(%arg10 : memref<128x128xf32, #tpu.memory_space<vmem>>) offsets(%dma_start3A_14 : memref<128xi32, #tpu.memory_space<vmem>>) semaphore(%arg12 : memref<!tpu.dma_semaphore, #tpu.memory_space<semaphore_mem>>)
    %mul3A_18 = arith.constant 640 : i32
    %mul3A_19 = arith.muli %arg1, %mul3A_18 : i32
    "tpu.region"() ({
      %run_scoped3A_46 = tpu.sem_alloc : memref<!tpu.dma_semaphore, #tpu.memory_space<semaphore_mem>>
      %dma_start3A_47 = arith.constant 0 : i32
      %dma_start3A_48 = tpu.memref_slice %arg13[%mul3A_19, %dma_start3A_47] : memref<10240x128xf32, #tpu.memory_space<vmem_shared>> -> memref<640x128xf32, #tpu.memory_space<vmem_shared>>
      tpu.enqueue_dma source(%arg5 : memref<640x128xf32, #tpu.memory_space<hbm>>) target(%dma_start3A_48 : memref<640x128xf32, #tpu.memory_space<vmem_shared>>) target_semaphore(%run_scoped3A_46 : memref<!tpu.dma_semaphore, #tpu.memory_space<semaphore_mem>>)
      %dma_wait3A_49 = arith.constant 0 : i32
      %dma_wait3A_50 = tpu.memref_slice %arg13[%mul3A_19, %dma_wait3A_49] : memref<10240x128xf32, #tpu.memory_space<vmem_shared>> -> memref<640x128xf32, #tpu.memory_space<vmem_shared>>
      tpu.wait_dma2 semaphore(%run_scoped3A_46 : memref<!tpu.dma_semaphore, #tpu.memory_space<semaphore_mem>>) src(%arg5 : memref<640x128xf32, #tpu.memory_space<hbm>>) dst(%dma_wait3A_50 : memref<640x128xf32, #tpu.memory_space<vmem_shared>>)
      tpu.yield
    }) : () -> ()
    %barrier3A = arith.constant 0 : index
    tpu.barrier barrier_id(%barrier3A)
    %scan3A = arith.constant 0 : i32
    %scan3A_20 = arith.constant 19 : i32
    %scan3A_21 = arith.addi %scan3A, %scan3A_20 : i32
    %scan3A_22 = arith.constant 1 : i32
    scf.for %scan3A_46 = %scan3A to %scan3A_21 step %scan3A_22  : i32 {
      %mul3A_47 = arith.constant 1 : i32
      %mul3A_48 = arith.muli %scan3A_46, %mul3A_47 : i32
      %add3A_49 = arith.constant 0 : i32
      %add3A_50 = arith.addi %add3A_49, %mul3A_48 : i32
      %mul3A_51 = arith.constant 2 : i32
      %mul3A_52 = arith.muli %mul3A_51, %add3A_50 : i32
      %dma_wait3A_53 = arith.constant 0 : i32
      %dma_wait3A_54 = tpu.memref_slice %arg7[%mul3A_52, %dma_wait3A_53] : memref<40x128xi32, #tpu.memory_space<vmem>> -> memref<1x128xi32, #tpu.memory_space<vmem>>
      %dma_wait3A_55 = tpu.memref_squeeze %dma_wait3A_54 : memref<1x128xi32, #tpu.memory_space<vmem>> -> memref<128xi32, #tpu.memory_space<vmem>>
      %dma_wait3A_56 = arith.constant 0 : i32
      %dma_wait3A_57 = arith.constant 0 : i32
      %dma_wait3A_58 = tpu.memref_slice %arg2[%dma_wait3A_56, %dma_wait3A_57] : memref<10240x128xf32, #tpu.memory_space<hbm>> -> memref<10240x128xf32, #tpu.memory_space<hbm>>
      tpu.wait_indirect_dma semaphore(%arg11 : memref<!tpu.dma_semaphore, #tpu.memory_space<semaphore_mem>>) src(%dma_wait3A_58 : memref<10240x128xf32, #tpu.memory_space<hbm>>) dst(%arg9 : memref<128x128xf32, #tpu.memory_space<vmem>>)
      "tpu.region"() ({
        %run_scoped3A_85 = tpu.sem_alloc : memref<!tpu.dma_semaphore, #tpu.memory_space<semaphore_mem>>
        %dma_start3A_86 = arith.constant 0 : i32
        %dma_start3A_87 = tpu.memref_slice %arg8[%mul3A_52, %dma_start3A_86] : memref<40x128xi32, #tpu.memory_space<vmem>> -> memref<1x128xi32, #tpu.memory_space<vmem>>
        %dma_start3A_88 = tpu.memref_squeeze %dma_start3A_87 : memref<1x128xi32, #tpu.memory_space<vmem>> -> memref<128xi32, #tpu.memory_space<vmem>>
        %dma_start3A_89 = arith.constant 0 : i32
        %dma_start3A_90 = arith.constant 0 : i32
        %dma_start3A_91 = tpu.memref_slice %arg13[%dma_start3A_89, %dma_start3A_90] : memref<10240x128xf32, #tpu.memory_space<vmem_shared>> -> memref<10240x128xf32, #tpu.memory_space<vmem_shared>>
        tpu.enqueue_indirect_dma source(%arg9 : memref<128x128xf32, #tpu.memory_space<vmem>>) target(%dma_start3A_91 : memref<10240x128xf32, #tpu.memory_space<vmem_shared>>) offsets(%dma_start3A_88 : memref<128xi32, #tpu.memory_space<vmem>>) semaphore(%run_scoped3A_85 : memref<!tpu.dma_semaphore, #tpu.memory_space<semaphore_mem>>) {add = true}
        %dma_wait3A_92 = arith.constant 0 : i32
        %dma_wait3A_93 = tpu.memref_slice %arg8[%mul3A_52, %dma_wait3A_92] : memref<40x128xi32, #tpu.memory_space<vmem>> -> memref<1x128xi32, #tpu.memory_space<vmem>>
        %dma_wait3A_94 = tpu.memref_squeeze %dma_wait3A_93 : memref<1x128xi32, #tpu.memory_space<vmem>> -> memref<128xi32, #tpu.memory_space<vmem>>
        %dma_wait3A_95 = arith.constant 0 : i32
        %dma_wait3A_96 = arith.constant 0 : i32
        %dma_wait3A_97 = tpu.memref_slice %arg13[%dma_wait3A_95, %dma_wait3A_96] : memref<10240x128xf32, #tpu.memory_space<vmem_shared>> -> memref<10240x128xf32, #tpu.memory_space<vmem_shared>>
        tpu.wait_indirect_dma semaphore(%run_scoped3A_85 : memref<!tpu.dma_semaphore, #tpu.memory_space<semaphore_mem>>) src(%arg9 : memref<128x128xf32, #tpu.memory_space<vmem>>) dst(%dma_wait3A_97 : memref<10240x128xf32, #tpu.memory_space<vmem_shared>>)
        tpu.yield
      }) : () -> ()
      %add3A_59 = arith.constant 2 : i32
      %add3A_60 = arith.addi %mul3A_52, %add3A_59 : i32
      %dma_start3A_61 = arith.constant 0 : i32
      %dma_start3A_62 = tpu.memref_slice %arg7[%add3A_60, %dma_start3A_61] : memref<40x128xi32, #tpu.memory_space<vmem>> -> memref<1x128xi32, #tpu.memory_space<vmem>>
      %dma_start3A_63 = tpu.memref_squeeze %dma_start3A_62 : memref<1x128xi32, #tpu.memory_space<vmem>> -> memref<128xi32, #tpu.memory_space<vmem>>
      %dma_start3A_64 = arith.constant 0 : i32
      %dma_start3A_65 = arith.constant 0 : i32
      %dma_start3A_66 = tpu.memref_slice %arg2[%dma_start3A_64, %dma_start3A_65] : memref<10240x128xf32, #tpu.memory_space<hbm>> -> memref<10240x128xf32, #tpu.memory_space<hbm>>
      tpu.enqueue_indirect_dma source(%dma_start3A_66 : memref<10240x128xf32, #tpu.memory_space<hbm>>) target(%arg9 : memref<128x128xf32, #tpu.memory_space<vmem>>) offsets(%dma_start3A_63 : memref<128xi32, #tpu.memory_space<vmem>>) semaphore(%arg11 : memref<!tpu.dma_semaphore, #tpu.memory_space<semaphore_mem>>)
      %add3A_67 = arith.constant 1 : i32
      %add3A_68 = arith.addi %mul3A_52, %add3A_67 : i32
      %dma_wait3A_69 = arith.constant 0 : i32
      %dma_wait3A_70 = tpu.memref_slice %arg7[%add3A_68, %dma_wait3A_69] : memref<40x128xi32, #tpu.memory_space<vmem>> -> memref<1x128xi32, #tpu.memory_space<vmem>>
      %dma_wait3A_71 = tpu.memref_squeeze %dma_wait3A_70 : memref<1x128xi32, #tpu.memory_space<vmem>> -> memref<128xi32, #tpu.memory_space<vmem>>
      %dma_wait3A_72 = arith.constant 0 : i32
      %dma_wait3A_73 = arith.constant 0 : i32
      %dma_wait3A_74 = tpu.memref_slice %arg2[%dma_wait3A_72, %dma_wait3A_73] : memref<10240x128xf32, #tpu.memory_space<hbm>> -> memref<10240x128xf32, #tpu.memory_space<hbm>>
      tpu.wait_indirect_dma semaphore(%arg12 : memref<!tpu.dma_semaphore, #tpu.memory_space<semaphore_mem>>) src(%dma_wait3A_74 : memref<10240x128xf32, #tpu.memory_space<hbm>>) dst(%arg10 : memref<128x128xf32, #tpu.memory_space<vmem>>)
      %add3A_75 = arith.constant 1 : i32
      %add3A_76 = arith.addi %mul3A_52, %add3A_75 : i32
      "tpu.region"() ({
        %run_scoped3A_85 = tpu.sem_alloc : memref<!tpu.dma_semaphore, #tpu.memory_space<semaphore_mem>>
        %dma_start3A_86 = arith.constant 0 : i32
        %dma_start3A_87 = tpu.memref_slice %arg8[%add3A_76, %dma_start3A_86] : memref<40x128xi32, #tpu.memory_space<vmem>> -> memref<1x128xi32, #tpu.memory_space<vmem>>
        %dma_start3A_88 = tpu.memref_squeeze %dma_start3A_87 : memref<1x128xi32, #tpu.memory_space<vmem>> -> memref<128xi32, #tpu.memory_space<vmem>>
        %dma_start3A_89 = arith.constant 0 : i32
        %dma_start3A_90 = arith.constant 0 : i32
        %dma_start3A_91 = tpu.memref_slice %arg13[%dma_start3A_89, %dma_start3A_90] : memref<10240x128xf32, #tpu.memory_space<vmem_shared>> -> memref<10240x128xf32, #tpu.memory_space<vmem_shared>>
        tpu.enqueue_indirect_dma source(%arg10 : memref<128x128xf32, #tpu.memory_space<vmem>>) target(%dma_start3A_91 : memref<10240x128xf32, #tpu.memory_space<vmem_shared>>) offsets(%dma_start3A_88 : memref<128xi32, #tpu.memory_space<vmem>>) semaphore(%run_scoped3A_85 : memref<!tpu.dma_semaphore, #tpu.memory_space<semaphore_mem>>) {add = true}
        %dma_wait3A_92 = arith.constant 0 : i32
        %dma_wait3A_93 = tpu.memref_slice %arg8[%add3A_76, %dma_wait3A_92] : memref<40x128xi32, #tpu.memory_space<vmem>> -> memref<1x128xi32, #tpu.memory_space<vmem>>
        %dma_wait3A_94 = tpu.memref_squeeze %dma_wait3A_93 : memref<1x128xi32, #tpu.memory_space<vmem>> -> memref<128xi32, #tpu.memory_space<vmem>>
        %dma_wait3A_95 = arith.constant 0 : i32
        %dma_wait3A_96 = arith.constant 0 : i32
        %dma_wait3A_97 = tpu.memref_slice %arg13[%dma_wait3A_95, %dma_wait3A_96] : memref<10240x128xf32, #tpu.memory_space<vmem_shared>> -> memref<10240x128xf32, #tpu.memory_space<vmem_shared>>
        tpu.wait_indirect_dma semaphore(%run_scoped3A_85 : memref<!tpu.dma_semaphore, #tpu.memory_space<semaphore_mem>>) src(%arg10 : memref<128x128xf32, #tpu.memory_space<vmem>>) dst(%dma_wait3A_97 : memref<10240x128xf32, #tpu.memory_space<vmem_shared>>)
        tpu.yield
      }) : () -> ()
      %add3A_77 = arith.constant 3 : i32
      %add3A_78 = arith.addi %mul3A_52, %add3A_77 : i32
      %dma_start3A_79 = arith.constant 0 : i32
      %dma_start3A_80 = tpu.memref_slice %arg7[%add3A_78, %dma_start3A_79] : memref<40x128xi32, #tpu.memory_space<vmem>> -> memref<1x128xi32, #tpu.memory_space<vmem>>
      %dma_start3A_81 = tpu.memref_squeeze %dma_start3A_80 : memref<1x128xi32, #tpu.memory_space<vmem>> -> memref<128xi32, #tpu.memory_space<vmem>>
      %dma_start3A_82 = arith.constant 0 : i32
      %dma_start3A_83 = arith.constant 0 : i32
      %dma_start3A_84 = tpu.memref_slice %arg2[%dma_start3A_82, %dma_start3A_83] : memref<10240x128xf32, #tpu.memory_space<hbm>> -> memref<10240x128xf32, #tpu.memory_space<hbm>>
      tpu.enqueue_indirect_dma source(%dma_start3A_84 : memref<10240x128xf32, #tpu.memory_space<hbm>>) target(%arg10 : memref<128x128xf32, #tpu.memory_space<vmem>>) offsets(%dma_start3A_81 : memref<128xi32, #tpu.memory_space<vmem>>) semaphore(%arg12 : memref<!tpu.dma_semaphore, #tpu.memory_space<semaphore_mem>>)
    }
    %scan3A_23 = arith.constant 19 : i32
    %dma_wait3A = arith.constant 38 : i32
    %dma_wait3A_24 = arith.constant 0 : i32
    %dma_wait3A_25 = tpu.memref_slice %arg7[%dma_wait3A, %dma_wait3A_24] : memref<40x128xi32, #tpu.memory_space<vmem>> -> memref<1x128xi32, #tpu.memory_space<vmem>>
    %dma_wait3A_26 = tpu.memref_squeeze %dma_wait3A_25 : memref<1x128xi32, #tpu.memory_space<vmem>> -> memref<128xi32, #tpu.memory_space<vmem>>
    %dma_wait3A_27 = arith.constant 0 : i32
    %dma_wait3A_28 = arith.constant 0 : i32
    %dma_wait3A_29 = tpu.memref_slice %arg2[%dma_wait3A_27, %dma_wait3A_28] : memref<10240x128xf32, #tpu.memory_space<hbm>> -> memref<10240x128xf32, #tpu.memory_space<hbm>>
    tpu.wait_indirect_dma semaphore(%arg11 : memref<!tpu.dma_semaphore, #tpu.memory_space<semaphore_mem>>) src(%dma_wait3A_29 : memref<10240x128xf32, #tpu.memory_space<hbm>>) dst(%arg9 : memref<128x128xf32, #tpu.memory_space<vmem>>)
    %run_scoped3A = arith.constant 38 : i32
    "tpu.region"() ({
      %run_scoped3A_46 = tpu.sem_alloc : memref<!tpu.dma_semaphore, #tpu.memory_space<semaphore_mem>>
      %dma_start3A_47 = arith.constant 0 : i32
      %dma_start3A_48 = tpu.memref_slice %arg8[%run_scoped3A, %dma_start3A_47] : memref<40x128xi32, #tpu.memory_space<vmem>> -> memref<1x128xi32, #tpu.memory_space<vmem>>
      %dma_start3A_49 = tpu.memref_squeeze %dma_start3A_48 : memref<1x128xi32, #tpu.memory_space<vmem>> -> memref<128xi32, #tpu.memory_space<vmem>>
      %dma_start3A_50 = arith.constant 0 : i32
      %dma_start3A_51 = arith.constant 0 : i32
      %dma_start3A_52 = tpu.memref_slice %arg13[%dma_start3A_50, %dma_start3A_51] : memref<10240x128xf32, #tpu.memory_space<vmem_shared>> -> memref<10240x128xf32, #tpu.memory_space<vmem_shared>>
      tpu.enqueue_indirect_dma source(%arg9 : memref<128x128xf32, #tpu.memory_space<vmem>>) target(%dma_start3A_52 : memref<10240x128xf32, #tpu.memory_space<vmem_shared>>) offsets(%dma_start3A_49 : memref<128xi32, #tpu.memory_space<vmem>>) semaphore(%run_scoped3A_46 : memref<!tpu.dma_semaphore, #tpu.memory_space<semaphore_mem>>) {add = true}
      %dma_wait3A_53 = arith.constant 0 : i32
      %dma_wait3A_54 = tpu.memref_slice %arg8[%run_scoped3A, %dma_wait3A_53] : memref<40x128xi32, #tpu.memory_space<vmem>> -> memref<1x128xi32, #tpu.memory_space<vmem>>
      %dma_wait3A_55 = tpu.memref_squeeze %dma_wait3A_54 : memref<1x128xi32, #tpu.memory_space<vmem>> -> memref<128xi32, #tpu.memory_space<vmem>>
      %dma_wait3A_56 = arith.constant 0 : i32
      %dma_wait3A_57 = arith.constant 0 : i32
      %dma_wait3A_58 = tpu.memref_slice %arg13[%dma_wait3A_56, %dma_wait3A_57] : memref<10240x128xf32, #tpu.memory_space<vmem_shared>> -> memref<10240x128xf32, #tpu.memory_space<vmem_shared>>
      tpu.wait_indirect_dma semaphore(%run_scoped3A_46 : memref<!tpu.dma_semaphore, #tpu.memory_space<semaphore_mem>>) src(%arg9 : memref<128x128xf32, #tpu.memory_space<vmem>>) dst(%dma_wait3A_58 : memref<10240x128xf32, #tpu.memory_space<vmem_shared>>)
      tpu.yield
    }) : () -> ()
    %dma_wait3A_30 = arith.constant 39 : i32
    %dma_wait3A_31 = arith.constant 0 : i32
    %dma_wait3A_32 = tpu.memref_slice %arg7[%dma_wait3A_30, %dma_wait3A_31] : memref<40x128xi32, #tpu.memory_space<vmem>> -> memref<1x128xi32, #tpu.memory_space<vmem>>
    %dma_wait3A_33 = tpu.memref_squeeze %dma_wait3A_32 : memref<1x128xi32, #tpu.memory_space<vmem>> -> memref<128xi32, #tpu.memory_space<vmem>>
    %dma_wait3A_34 = arith.constant 0 : i32
    %dma_wait3A_35 = arith.constant 0 : i32
    %dma_wait3A_36 = tpu.memref_slice %arg2[%dma_wait3A_34, %dma_wait3A_35] : memref<10240x128xf32, #tpu.memory_space<hbm>> -> memref<10240x128xf32, #tpu.memory_space<hbm>>
    tpu.wait_indirect_dma semaphore(%arg12 : memref<!tpu.dma_semaphore, #tpu.memory_space<semaphore_mem>>) src(%dma_wait3A_36 : memref<10240x128xf32, #tpu.memory_space<hbm>>) dst(%arg10 : memref<128x128xf32, #tpu.memory_space<vmem>>)
    %run_scoped3A_37 = arith.constant 39 : i32
    "tpu.region"() ({
      %run_scoped3A_46 = tpu.sem_alloc : memref<!tpu.dma_semaphore, #tpu.memory_space<semaphore_mem>>
      %dma_start3A_47 = arith.constant 0 : i32
      %dma_start3A_48 = tpu.memref_slice %arg8[%run_scoped3A_37, %dma_start3A_47] : memref<40x128xi32, #tpu.memory_space<vmem>> -> memref<1x128xi32, #tpu.memory_space<vmem>>
      %dma_start3A_49 = tpu.memref_squeeze %dma_start3A_48 : memref<1x128xi32, #tpu.memory_space<vmem>> -> memref<128xi32, #tpu.memory_space<vmem>>
      %dma_start3A_50 = arith.constant 0 : i32
      %dma_start3A_51 = arith.constant 0 : i32
      %dma_start3A_52 = tpu.memref_slice %arg13[%dma_start3A_50, %dma_start3A_51] : memref<10240x128xf32, #tpu.memory_space<vmem_shared>> -> memref<10240x128xf32, #tpu.memory_space<vmem_shared>>
      tpu.enqueue_indirect_dma source(%arg10 : memref<128x128xf32, #tpu.memory_space<vmem>>) target(%dma_start3A_52 : memref<10240x128xf32, #tpu.memory_space<vmem_shared>>) offsets(%dma_start3A_49 : memref<128xi32, #tpu.memory_space<vmem>>) semaphore(%run_scoped3A_46 : memref<!tpu.dma_semaphore, #tpu.memory_space<semaphore_mem>>) {add = true}
      %dma_wait3A_53 = arith.constant 0 : i32
      %dma_wait3A_54 = tpu.memref_slice %arg8[%run_scoped3A_37, %dma_wait3A_53] : memref<40x128xi32, #tpu.memory_space<vmem>> -> memref<1x128xi32, #tpu.memory_space<vmem>>
      %dma_wait3A_55 = tpu.memref_squeeze %dma_wait3A_54 : memref<1x128xi32, #tpu.memory_space<vmem>> -> memref<128xi32, #tpu.memory_space<vmem>>
      %dma_wait3A_56 = arith.constant 0 : i32
      %dma_wait3A_57 = arith.constant 0 : i32
      %dma_wait3A_58 = tpu.memref_slice %arg13[%dma_wait3A_56, %dma_wait3A_57] : memref<10240x128xf32, #tpu.memory_space<vmem_shared>> -> memref<10240x128xf32, #tpu.memory_space<vmem_shared>>
      tpu.wait_indirect_dma semaphore(%run_scoped3A_46 : memref<!tpu.dma_semaphore, #tpu.memory_space<semaphore_mem>>) src(%arg10 : memref<128x128xf32, #tpu.memory_space<vmem>>) dst(%dma_wait3A_58 : memref<10240x128xf32, #tpu.memory_space<vmem_shared>>)
      tpu.yield
    }) : () -> ()
    %barrier3A_38 = arith.constant 0 : index
    tpu.barrier barrier_id(%barrier3A_38)
    %mul3A_39 = arith.constant 640 : i32
    %mul3A_40 = arith.muli %arg1, %mul3A_39 : i32
    %mul3A_41 = arith.constant 10240 : i32
    %mul3A_42 = arith.muli %arg0, %mul3A_41 : i32
    %mul3A_43 = arith.constant 640 : i32
    %mul3A_44 = arith.muli %arg1, %mul3A_43 : i32
    %add3A_45 = arith.addi %mul3A_42, %mul3A_44 : i32
    "tpu.region"() ({
      %run_scoped3A_46 = tpu.sem_alloc : memref<!tpu.dma_semaphore, #tpu.memory_space<semaphore_mem>>
      %dma_start3A_47 = arith.constant 0 : i32
      %dma_start3A_48 = tpu.memref_slice %arg6[%add3A_45, %dma_start3A_47] : memref<20480x128xf32, #tpu.memory_space<hbm>> -> memref<640x128xf32, #tpu.memory_space<hbm>>
      %dma_start3A_49 = arith.constant 0 : i32
      %dma_start3A_50 = tpu.memref_slice %arg13[%mul3A_40, %dma_start3A_49] : memref<10240x128xf32, #tpu.memory_space<vmem_shared>> -> memref<640x128xf32, #tpu.memory_space<vmem_shared>>
      tpu.enqueue_dma source(%dma_start3A_50 : memref<640x128xf32, #tpu.memory_space<vmem_shared>>) target(%dma_start3A_48 : memref<640x128xf32, #tpu.memory_space<hbm>>) target_semaphore(%run_scoped3A_46 : memref<!tpu.dma_semaphore, #tpu.memory_space<semaphore_mem>>)
      %dma_wait3A_51 = arith.constant 0 : i32
      %dma_wait3A_52 = tpu.memref_slice %arg6[%add3A_45, %dma_wait3A_51] : memref<20480x128xf32, #tpu.memory_space<hbm>> -> memref<640x128xf32, #tpu.memory_space<hbm>>
      %dma_wait3A_53 = arith.constant 0 : i32
      %dma_wait3A_54 = tpu.memref_slice %arg13[%mul3A_40, %dma_wait3A_53] : memref<10240x128xf32, #tpu.memory_space<vmem_shared>> -> memref<640x128xf32, #tpu.memory_space<vmem_shared>>
      tpu.wait_dma2 semaphore(%run_scoped3A_46 : memref<!tpu.dma_semaphore, #tpu.memory_space<semaphore_mem>>) src(%dma_wait3A_54 : memref<640x128xf32, #tpu.memory_space<vmem_shared>>) dst(%dma_wait3A_52 : memref<640x128xf32, #tpu.memory_space<hbm>>)
      tpu.yield
    }) : () -> ()
    return
  }
}

#map = affine_map<(d0, d1) -> (0, 0)>
#map1 = affine_map<(d0, d1) -> (0)>
module attributes {stable_mosaic.version = 14 : i64} {
  func.func @body(%arg0: i32, %arg1: i32, %arg2: memref<1280x128xi32, #tpu.memory_space<hbm>>, %arg3: memref<80xi32, #tpu.memory_space<hbm>>, %arg4: memref<80x128xf32, #tpu.memory_space<hbm>>, %arg5: memref<160x128xf32, #tpu.memory_space<hbm>>, %arg6: memref<40x128xi32, #tpu.memory_space<vmem>>, %arg7: memref<80x128xf32, #tpu.memory_space<vmem>>, %arg8: memref<80xi32, #tpu.memory_space<vmem>>, %arg9: memref<80x128xf32, #tpu.memory_space<vmem_shared>>) attributes {dimension_semantics = [#tpu.dimension_semantics<core_parallel>, #tpu.dimension_semantics<subcore_parallel>], iteration_bounds = array<i64: 2, 16>, scalar_prefetch = 0 : i64, scratch_operands = 4 : i64, tpu.core_type = #tpu.core_type<sc_vector_subcore>, window_params = [{transform_indices = #map}, {transform_indices = #map1}, {transform_indices = #map}, {transform_indices = #map}]} {
    %mul3A = arith.constant 16 : i32
    %mul3A_0 = arith.muli %arg0, %mul3A : i32
    %add3A = arith.addi %mul3A_0, %arg1 : i32
    %mul3A_1 = arith.constant 40 : i32
    %mul3A_2 = arith.muli %add3A, %mul3A_1 : i32
    "tpu.region"() ({
      %run_scoped3A = tpu.sem_alloc : memref<!tpu.dma_semaphore, #tpu.memory_space<semaphore_mem>>
      %dma_start3A = arith.constant 0 : i32
      %dma_start3A_16 = tpu.memref_slice %arg2[%mul3A_2, %dma_start3A] : memref<1280x128xi32, #tpu.memory_space<hbm>> -> memref<40x128xi32, #tpu.memory_space<hbm>>
      %dma_start3A_17 = arith.constant 0 : i32
      %dma_start3A_18 = tpu.memref_slice %arg2[%mul3A_2, %dma_start3A_17] : memref<1280x128xi32, #tpu.memory_space<hbm>> -> memref<40x128xi32, #tpu.memory_space<hbm>>
      tpu.enqueue_dma source(%dma_start3A_18 : memref<40x128xi32, #tpu.memory_space<hbm>>) target(%arg6 : memref<40x128xi32, #tpu.memory_space<vmem>>) target_semaphore(%run_scoped3A : memref<!tpu.dma_semaphore, #tpu.memory_space<semaphore_mem>>)
      %dma_wait3A = arith.constant 0 : i32
      %dma_wait3A_19 = tpu.memref_slice %arg2[%mul3A_2, %dma_wait3A] : memref<1280x128xi32, #tpu.memory_space<hbm>> -> memref<40x128xi32, #tpu.memory_space<hbm>>
      %dma_wait3A_20 = arith.constant 0 : i32
      %dma_wait3A_21 = tpu.memref_slice %arg2[%mul3A_2, %dma_wait3A_20] : memref<1280x128xi32, #tpu.memory_space<hbm>> -> memref<40x128xi32, #tpu.memory_space<hbm>>
      tpu.wait_dma2 semaphore(%run_scoped3A : memref<!tpu.dma_semaphore, #tpu.memory_space<semaphore_mem>>) src(%dma_wait3A_21 : memref<40x128xi32, #tpu.memory_space<hbm>>) dst(%arg6 : memref<40x128xi32, #tpu.memory_space<vmem>>)
      tpu.yield
    }) : () -> ()
    "tpu.region"() ({
      %run_scoped3A = tpu.sem_alloc : memref<!tpu.dma_semaphore, #tpu.memory_space<semaphore_mem>>
      tpu.enqueue_dma source(%arg4 : memref<80x128xf32, #tpu.memory_space<hbm>>) target(%arg7 : memref<80x128xf32, #tpu.memory_space<vmem>>) target_semaphore(%run_scoped3A : memref<!tpu.dma_semaphore, #tpu.memory_space<semaphore_mem>>)
      tpu.wait_dma2 semaphore(%run_scoped3A : memref<!tpu.dma_semaphore, #tpu.memory_space<semaphore_mem>>) src(%arg4 : memref<80x128xf32, #tpu.memory_space<hbm>>) dst(%arg7 : memref<80x128xf32, #tpu.memory_space<vmem>>)
      tpu.yield
    }) : () -> ()
    "tpu.region"() ({
      %run_scoped3A = tpu.sem_alloc : memref<!tpu.dma_semaphore, #tpu.memory_space<semaphore_mem>>
      tpu.enqueue_dma source(%arg3 : memref<80xi32, #tpu.memory_space<hbm>>) target(%arg8 : memref<80xi32, #tpu.memory_space<vmem>>) target_semaphore(%run_scoped3A : memref<!tpu.dma_semaphore, #tpu.memory_space<semaphore_mem>>)
      tpu.wait_dma2 semaphore(%run_scoped3A : memref<!tpu.dma_semaphore, #tpu.memory_space<semaphore_mem>>) src(%arg3 : memref<80xi32, #tpu.memory_space<hbm>>) dst(%arg8 : memref<80xi32, #tpu.memory_space<vmem>>)
      tpu.yield
    }) : () -> ()
    %lt3A = arith.constant 10 : i32
    %lt3A_3 = arith.cmpi slt, %arg1, %lt3A : i32
    %convert_element_type3A = arith.extui %lt3A_3 : i1 to i32
    %cond3A = arith.constant 0 : i32
    %cond3A_4 = arith.cmpi ne, %convert_element_type3A, %cond3A : i32
    scf.if %cond3A_4 {
      %mul3A_16 = arith.constant 8 : i32
      %mul3A_17 = arith.muli %arg1, %mul3A_16 : i32
      "tpu.region"() ({
        %run_scoped3A = tpu.sem_alloc : memref<!tpu.dma_semaphore, #tpu.memory_space<semaphore_mem>>
        %dma_start3A = arith.constant 0 : i32
        %dma_start3A_18 = tpu.memref_slice %arg9[%mul3A_17, %dma_start3A] : memref<80x128xf32, #tpu.memory_space<vmem_shared>> -> memref<8x128xf32, #tpu.memory_space<vmem_shared>>
        %dma_start3A_19 = arith.constant 0 : i32
        %dma_start3A_20 = arith.constant 0 : i32
        %dma_start3A_21 = tpu.memref_slice %arg4[%dma_start3A_19, %dma_start3A_20] : memref<80x128xf32, #tpu.memory_space<hbm>> -> memref<8x128xf32, #tpu.memory_space<hbm>>
        tpu.enqueue_dma source(%dma_start3A_21 : memref<8x128xf32, #tpu.memory_space<hbm>>) target(%dma_start3A_18 : memref<8x128xf32, #tpu.memory_space<vmem_shared>>) target_semaphore(%run_scoped3A : memref<!tpu.dma_semaphore, #tpu.memory_space<semaphore_mem>>)
        %dma_wait3A = arith.constant 0 : i32
        %dma_wait3A_22 = tpu.memref_slice %arg9[%mul3A_17, %dma_wait3A] : memref<80x128xf32, #tpu.memory_space<vmem_shared>> -> memref<8x128xf32, #tpu.memory_space<vmem_shared>>
        %dma_wait3A_23 = arith.constant 0 : i32
        %dma_wait3A_24 = arith.constant 0 : i32
        %dma_wait3A_25 = tpu.memref_slice %arg4[%dma_wait3A_23, %dma_wait3A_24] : memref<80x128xf32, #tpu.memory_space<hbm>> -> memref<8x128xf32, #tpu.memory_space<hbm>>
        tpu.wait_dma2 semaphore(%run_scoped3A : memref<!tpu.dma_semaphore, #tpu.memory_space<semaphore_mem>>) src(%dma_wait3A_25 : memref<8x128xf32, #tpu.memory_space<hbm>>) dst(%dma_wait3A_22 : memref<8x128xf32, #tpu.memory_space<vmem_shared>>)
        tpu.yield
      }) : () -> ()
    } else {
    }
    %barrier3A = arith.constant 0 : index
    tpu.barrier barrier_id(%barrier3A)
    %broadcast_in_dim3A = arith.constant 1.000000e+00 : f32
    %broadcast_in_dim3A_5 = vector.broadcast %broadcast_in_dim3A : f32 to vector<16xf32>
    %scan3A = arith.constant 0 : i32
    %scan3A_6 = arith.constant 40 : i32
    %scan3A_7 = arith.addi %scan3A, %scan3A_6 : i32
    %scan3A_8 = arith.constant 1 : i32
    scf.for %scan3A_16 = %scan3A to %scan3A_7 step %scan3A_8  : i32 {
      %mul3A_17 = arith.constant 1 : i32
      %mul3A_18 = arith.muli %scan3A_16, %mul3A_17 : i32
      %add3A_19 = arith.constant 0 : i32
      %add3A_20 = arith.addi %add3A_19, %mul3A_18 : i32
      %get3A = arith.index_cast %add3A_20 : i32 to index
      %get3A_21 = arith.constant 0 : index
      %get3A_22 = tpu.vector_load %arg6[%get3A, %get3A_21] {strides = array<i32>} : memref<40x128xi32, #tpu.memory_space<vmem>>, vector<16xi32>,
      %shift_right_arithmetic3A = arith.constant 7 : i32
      %shift_right_arithmetic3A_23 = vector.broadcast %shift_right_arithmetic3A : i32 to vector<16xi32>
      %shift_right_arithmetic3A_24 = arith.shrsi %get3A_22, %shift_right_arithmetic3A_23 : vector<16xi32>
      %and3A = arith.constant 127 : i32
      %and3A_25 = vector.broadcast %and3A : i32 to vector<16xi32>
      %and3A_26 = arith.andi %get3A_22, %and3A_25 : vector<16xi32>
      tpu.vector_store_idx %arg7[%shift_right_arithmetic3A_24, %and3A_26], %broadcast_in_dim3A_5 {add = true} : memref<80x128xf32, #tpu.memory_space<vmem>>[vector<16xi32>, vector<16xi32>], vector<16xf32>,
      %get3A_27 = arith.index_cast %add3A_20 : i32 to index
      %get3A_28 = arith.constant 16 : index
      %get3A_29 = tpu.vector_load %arg6[%get3A_27, %get3A_28] {strides = array<i32>} : memref<40x128xi32, #tpu.memory_space<vmem>>, vector<16xi32>,
      %shift_right_arithmetic3A_30 = arith.constant 7 : i32
      %shift_right_arithmetic3A_31 = vector.broadcast %shift_right_arithmetic3A_30 : i32 to vector<16xi32>
      %shift_right_arithmetic3A_32 = arith.shrsi %get3A_29, %shift_right_arithmetic3A_31 : vector<16xi32>
      %and3A_33 = arith.constant 127 : i32
      %and3A_34 = vector.broadcast %and3A_33 : i32 to vector<16xi32>
      %and3A_35 = arith.andi %get3A_29, %and3A_34 : vector<16xi32>
      tpu.vector_store_idx %arg7[%shift_right_arithmetic3A_32, %and3A_35], %broadcast_in_dim3A_5 {add = true} : memref<80x128xf32, #tpu.memory_space<vmem>>[vector<16xi32>, vector<16xi32>], vector<16xf32>,
      %get3A_36 = arith.index_cast %add3A_20 : i32 to index
      %get3A_37 = arith.constant 32 : index
      %get3A_38 = tpu.vector_load %arg6[%get3A_36, %get3A_37] {strides = array<i32>} : memref<40x128xi32, #tpu.memory_space<vmem>>, vector<16xi32>,
      %shift_right_arithmetic3A_39 = arith.constant 7 : i32
      %shift_right_arithmetic3A_40 = vector.broadcast %shift_right_arithmetic3A_39 : i32 to vector<16xi32>
      %shift_right_arithmetic3A_41 = arith.shrsi %get3A_38, %shift_right_arithmetic3A_40 : vector<16xi32>
      %and3A_42 = arith.constant 127 : i32
      %and3A_43 = vector.broadcast %and3A_42 : i32 to vector<16xi32>
      %and3A_44 = arith.andi %get3A_38, %and3A_43 : vector<16xi32>
      tpu.vector_store_idx %arg7[%shift_right_arithmetic3A_41, %and3A_44], %broadcast_in_dim3A_5 {add = true} : memref<80x128xf32, #tpu.memory_space<vmem>>[vector<16xi32>, vector<16xi32>], vector<16xf32>,
      %get3A_45 = arith.index_cast %add3A_20 : i32 to index
      %get3A_46 = arith.constant 48 : index
      %get3A_47 = tpu.vector_load %arg6[%get3A_45, %get3A_46] {strides = array<i32>} : memref<40x128xi32, #tpu.memory_space<vmem>>, vector<16xi32>,
      %shift_right_arithmetic3A_48 = arith.constant 7 : i32
      %shift_right_arithmetic3A_49 = vector.broadcast %shift_right_arithmetic3A_48 : i32 to vector<16xi32>
      %shift_right_arithmetic3A_50 = arith.shrsi %get3A_47, %shift_right_arithmetic3A_49 : vector<16xi32>
      %and3A_51 = arith.constant 127 : i32
      %and3A_52 = vector.broadcast %and3A_51 : i32 to vector<16xi32>
      %and3A_53 = arith.andi %get3A_47, %and3A_52 : vector<16xi32>
      tpu.vector_store_idx %arg7[%shift_right_arithmetic3A_50, %and3A_53], %broadcast_in_dim3A_5 {add = true} : memref<80x128xf32, #tpu.memory_space<vmem>>[vector<16xi32>, vector<16xi32>], vector<16xf32>,
      %get3A_54 = arith.index_cast %add3A_20 : i32 to index
      %get3A_55 = arith.constant 64 : index
      %get3A_56 = tpu.vector_load %arg6[%get3A_54, %get3A_55] {strides = array<i32>} : memref<40x128xi32, #tpu.memory_space<vmem>>, vector<16xi32>,
      %shift_right_arithmetic3A_57 = arith.constant 7 : i32
      %shift_right_arithmetic3A_58 = vector.broadcast %shift_right_arithmetic3A_57 : i32 to vector<16xi32>
      %shift_right_arithmetic3A_59 = arith.shrsi %get3A_56, %shift_right_arithmetic3A_58 : vector<16xi32>
      %and3A_60 = arith.constant 127 : i32
      %and3A_61 = vector.broadcast %and3A_60 : i32 to vector<16xi32>
      %and3A_62 = arith.andi %get3A_56, %and3A_61 : vector<16xi32>
      tpu.vector_store_idx %arg7[%shift_right_arithmetic3A_59, %and3A_62], %broadcast_in_dim3A_5 {add = true} : memref<80x128xf32, #tpu.memory_space<vmem>>[vector<16xi32>, vector<16xi32>], vector<16xf32>,
      %get3A_63 = arith.index_cast %add3A_20 : i32 to index
      %get3A_64 = arith.constant 80 : index
      %get3A_65 = tpu.vector_load %arg6[%get3A_63, %get3A_64] {strides = array<i32>} : memref<40x128xi32, #tpu.memory_space<vmem>>, vector<16xi32>,
      %shift_right_arithmetic3A_66 = arith.constant 7 : i32
      %shift_right_arithmetic3A_67 = vector.broadcast %shift_right_arithmetic3A_66 : i32 to vector<16xi32>
      %shift_right_arithmetic3A_68 = arith.shrsi %get3A_65, %shift_right_arithmetic3A_67 : vector<16xi32>
      %and3A_69 = arith.constant 127 : i32
      %and3A_70 = vector.broadcast %and3A_69 : i32 to vector<16xi32>
      %and3A_71 = arith.andi %get3A_65, %and3A_70 : vector<16xi32>
      tpu.vector_store_idx %arg7[%shift_right_arithmetic3A_68, %and3A_71], %broadcast_in_dim3A_5 {add = true} : memref<80x128xf32, #tpu.memory_space<vmem>>[vector<16xi32>, vector<16xi32>], vector<16xf32>,
      %get3A_72 = arith.index_cast %add3A_20 : i32 to index
      %get3A_73 = arith.constant 96 : index
      %get3A_74 = tpu.vector_load %arg6[%get3A_72, %get3A_73] {strides = array<i32>} : memref<40x128xi32, #tpu.memory_space<vmem>>, vector<16xi32>,
      %shift_right_arithmetic3A_75 = arith.constant 7 : i32
      %shift_right_arithmetic3A_76 = vector.broadcast %shift_right_arithmetic3A_75 : i32 to vector<16xi32>
      %shift_right_arithmetic3A_77 = arith.shrsi %get3A_74, %shift_right_arithmetic3A_76 : vector<16xi32>
      %and3A_78 = arith.constant 127 : i32
      %and3A_79 = vector.broadcast %and3A_78 : i32 to vector<16xi32>
      %and3A_80 = arith.andi %get3A_74, %and3A_79 : vector<16xi32>
      tpu.vector_store_idx %arg7[%shift_right_arithmetic3A_77, %and3A_80], %broadcast_in_dim3A_5 {add = true} : memref<80x128xf32, #tpu.memory_space<vmem>>[vector<16xi32>, vector<16xi32>], vector<16xf32>,
      %get3A_81 = arith.index_cast %add3A_20 : i32 to index
      %get3A_82 = arith.constant 112 : index
      %get3A_83 = tpu.vector_load %arg6[%get3A_81, %get3A_82] {strides = array<i32>} : memref<40x128xi32, #tpu.memory_space<vmem>>, vector<16xi32>,
      %shift_right_arithmetic3A_84 = arith.constant 7 : i32
      %shift_right_arithmetic3A_85 = vector.broadcast %shift_right_arithmetic3A_84 : i32 to vector<16xi32>
      %shift_right_arithmetic3A_86 = arith.shrsi %get3A_83, %shift_right_arithmetic3A_85 : vector<16xi32>
      %and3A_87 = arith.constant 127 : i32
      %and3A_88 = vector.broadcast %and3A_87 : i32 to vector<16xi32>
      %and3A_89 = arith.andi %get3A_83, %and3A_88 : vector<16xi32>
      tpu.vector_store_idx %arg7[%shift_right_arithmetic3A_86, %and3A_89], %broadcast_in_dim3A_5 {add = true} : memref<80x128xf32, #tpu.memory_space<vmem>>[vector<16xi32>, vector<16xi32>], vector<16xf32>,
    }
    %scan3A_9 = arith.constant 40 : i32
    "tpu.region"() ({
      %run_scoped3A = tpu.sem_alloc : memref<!tpu.dma_semaphore, #tpu.memory_space<semaphore_mem>>
      %dma_start3A = arith.constant 0 : i32
      %dma_start3A_16 = arith.constant 0 : i32
      %dma_start3A_17 = tpu.memref_slice %arg9[%dma_start3A, %dma_start3A_16] : memref<80x128xf32, #tpu.memory_space<vmem_shared>> -> memref<80x128xf32, #tpu.memory_space<vmem_shared>>
      tpu.enqueue_indirect_dma source(%arg7 : memref<80x128xf32, #tpu.memory_space<vmem>>) target(%dma_start3A_17 : memref<80x128xf32, #tpu.memory_space<vmem_shared>>) offsets(%arg8 : memref<80xi32, #tpu.memory_space<vmem>>) semaphore(%run_scoped3A : memref<!tpu.dma_semaphore, #tpu.memory_space<semaphore_mem>>) {add = true}
      %dma_wait3A = arith.constant 0 : i32
      %dma_wait3A_18 = arith.constant 0 : i32
      %dma_wait3A_19 = tpu.memref_slice %arg9[%dma_wait3A, %dma_wait3A_18] : memref<80x128xf32, #tpu.memory_space<vmem_shared>> -> memref<80x128xf32, #tpu.memory_space<vmem_shared>>
      tpu.wait_indirect_dma semaphore(%run_scoped3A : memref<!tpu.dma_semaphore, #tpu.memory_space<semaphore_mem>>) src(%arg7 : memref<80x128xf32, #tpu.memory_space<vmem>>) dst(%dma_wait3A_19 : memref<80x128xf32, #tpu.memory_space<vmem_shared>>)
      tpu.yield
    }) : () -> ()
    %barrier3A_10 = arith.constant 0 : index
    tpu.barrier barrier_id(%barrier3A_10)
    %lt3A_11 = arith.constant 10 : i32
    %lt3A_12 = arith.cmpi slt, %arg1, %lt3A_11 : i32
    %convert_element_type3A_13 = arith.extui %lt3A_12 : i1 to i32
    %cond3A_14 = arith.constant 0 : i32
    %cond3A_15 = arith.cmpi ne, %convert_element_type3A_13, %cond3A_14 : i32
    scf.if %cond3A_15 {
      %mul3A_16 = arith.constant 8 : i32
      %mul3A_17 = arith.muli %arg1, %mul3A_16 : i32
      %mul3A_18 = arith.constant 80 : i32
      %mul3A_19 = arith.muli %arg0, %mul3A_18 : i32
      %mul3A_20 = arith.constant 8 : i32
      %mul3A_21 = arith.muli %arg1, %mul3A_20 : i32
      %add3A_22 = arith.addi %mul3A_19, %mul3A_21 : i32
      "tpu.region"() ({
        %run_scoped3A = tpu.sem_alloc : memref<!tpu.dma_semaphore, #tpu.memory_space<semaphore_mem>>
        %dma_start3A = arith.constant 0 : i32
        %dma_start3A_23 = tpu.memref_slice %arg5[%add3A_22, %dma_start3A] : memref<160x128xf32, #tpu.memory_space<hbm>> -> memref<8x128xf32, #tpu.memory_space<hbm>>
        %dma_start3A_24 = arith.constant 0 : i32
        %dma_start3A_25 = tpu.memref_slice %arg9[%mul3A_17, %dma_start3A_24] : memref<80x128xf32, #tpu.memory_space<vmem_shared>> -> memref<8x128xf32, #tpu.memory_space<vmem_shared>>
        tpu.enqueue_dma source(%dma_start3A_25 : memref<8x128xf32, #tpu.memory_space<vmem_shared>>) target(%dma_start3A_23 : memref<8x128xf32, #tpu.memory_space<hbm>>) target_semaphore(%run_scoped3A : memref<!tpu.dma_semaphore, #tpu.memory_space<semaphore_mem>>)
        %dma_wait3A = arith.constant 0 : i32
        %dma_wait3A_26 = tpu.memref_slice %arg5[%add3A_22, %dma_wait3A] : memref<160x128xf32, #tpu.memory_space<hbm>> -> memref<8x128xf32, #tpu.memory_space<hbm>>
        %dma_wait3A_27 = arith.constant 0 : i32
        %dma_wait3A_28 = tpu.memref_slice %arg9[%mul3A_17, %dma_wait3A_27] : memref<80x128xf32, #tpu.memory_space<vmem_shared>> -> memref<8x128xf32, #tpu.memory_space<vmem_shared>>
        tpu.wait_dma2 semaphore(%run_scoped3A : memref<!tpu.dma_semaphore, #tpu.memory_space<semaphore_mem>>) src(%dma_wait3A_28 : memref<8x128xf32, #tpu.memory_space<vmem_shared>>) dst(%dma_wait3A_26 : memref<8x128xf32, #tpu.memory_space<hbm>>)
        tpu.yield
      }) : () -> ()
    } else {
    }
    return
  }
}

#map = affine_map<(d0, d1) -> (0, 0)>
module attributes {stable_mosaic.version = 14 : i64} {
  func.func @body(%arg0: i32, %arg1: i32, %arg2: memref<10240x128xf32, #tpu.memory_space<hbm>>, %arg3: memref<1280x128xi32, #tpu.memory_space<hbm>>, %arg4: memref<1280x128xi32, #tpu.memory_space<hbm>>, %arg5: memref<640x128xf32, #tpu.memory_space<hbm>>, %arg6: memref<20480x128xf32, #tpu.memory_space<hbm>>, %arg7: memref<40x128xi32, #tpu.memory_space<vmem>>, %arg8: memref<40x128xi32, #tpu.memory_space<vmem>>, %arg9: memref<128x128xf32, #tpu.memory_space<vmem>>, %arg10: memref<128x128xf32, #tpu.memory_space<vmem>>, %arg11: memref<!tpu.dma_semaphore, #tpu.memory_space<semaphore_mem>>, %arg12: memref<!tpu.dma_semaphore, #tpu.memory_space<semaphore_mem>>, %arg13: memref<10240x128xf32, #tpu.memory_space<vmem_shared>>) attributes {dimension_semantics = [#tpu.dimension_semantics<core_parallel>, #tpu.dimension_semantics<subcore_parallel>], iteration_bounds = array<i64: 2, 16>, scalar_prefetch = 0 : i64, scratch_operands = 7 : i64, tpu.core_type = #tpu.core_type<sc_vector_subcore>, window_params = [{transform_indices = #map}, {transform_indices = #map}, {transform_indices = #map}, {transform_indices = #map}, {transform_indices = #map}]} {
    %mul3A = arith.constant 16 : i32
    %mul3A_0 = arith.muli %arg0, %mul3A : i32
    %add3A = arith.addi %mul3A_0, %arg1 : i32
    %mul3A_1 = arith.constant 40 : i32
    %mul3A_2 = arith.muli %add3A, %mul3A_1 : i32
    "tpu.region"() ({
      %run_scoped3A_46 = tpu.sem_alloc : memref<!tpu.dma_semaphore, #tpu.memory_space<semaphore_mem>>
      %dma_start3A_47 = arith.constant 0 : i32
      %dma_start3A_48 = tpu.memref_slice %arg3[%mul3A_2, %dma_start3A_47] : memref<1280x128xi32, #tpu.memory_space<hbm>> -> memref<40x128xi32, #tpu.memory_space<hbm>>
      %dma_start3A_49 = arith.constant 0 : i32
      %dma_start3A_50 = tpu.memref_slice %arg3[%mul3A_2, %dma_start3A_49] : memref<1280x128xi32, #tpu.memory_space<hbm>> -> memref<40x128xi32, #tpu.memory_space<hbm>>
      tpu.enqueue_dma source(%dma_start3A_50 : memref<40x128xi32, #tpu.memory_space<hbm>>) target(%arg7 : memref<40x128xi32, #tpu.memory_space<vmem>>) target_semaphore(%run_scoped3A_46 : memref<!tpu.dma_semaphore, #tpu.memory_space<semaphore_mem>>)
      %dma_wait3A_51 = arith.constant 0 : i32
      %dma_wait3A_52 = tpu.memref_slice %arg3[%mul3A_2, %dma_wait3A_51] : memref<1280x128xi32, #tpu.memory_space<hbm>> -> memref<40x128xi32, #tpu.memory_space<hbm>>
      %dma_wait3A_53 = arith.constant 0 : i32
      %dma_wait3A_54 = tpu.memref_slice %arg3[%mul3A_2, %dma_wait3A_53] : memref<1280x128xi32, #tpu.memory_space<hbm>> -> memref<40x128xi32, #tpu.memory_space<hbm>>
      tpu.wait_dma2 semaphore(%run_scoped3A_46 : memref<!tpu.dma_semaphore, #tpu.memory_space<semaphore_mem>>) src(%dma_wait3A_54 : memref<40x128xi32, #tpu.memory_space<hbm>>) dst(%arg7 : memref<40x128xi32, #tpu.memory_space<vmem>>)
      tpu.yield
    }) : () -> ()
    %mul3A_3 = arith.constant 40 : i32
    %mul3A_4 = arith.muli %add3A, %mul3A_3 : i32
    "tpu.region"() ({
      %run_scoped3A_46 = tpu.sem_alloc : memref<!tpu.dma_semaphore, #tpu.memory_space<semaphore_mem>>
      %dma_start3A_47 = arith.constant 0 : i32
      %dma_start3A_48 = tpu.memref_slice %arg4[%mul3A_4, %dma_start3A_47] : memref<1280x128xi32, #tpu.memory_space<hbm>> -> memref<40x128xi32, #tpu.memory_space<hbm>>
      %dma_start3A_49 = arith.constant 0 : i32
      %dma_start3A_50 = tpu.memref_slice %arg4[%mul3A_4, %dma_start3A_49] : memref<1280x128xi32, #tpu.memory_space<hbm>> -> memref<40x128xi32, #tpu.memory_space<hbm>>
      tpu.enqueue_dma source(%dma_start3A_50 : memref<40x128xi32, #tpu.memory_space<hbm>>) target(%arg8 : memref<40x128xi32, #tpu.memory_space<vmem>>) target_semaphore(%run_scoped3A_46 : memref<!tpu.dma_semaphore, #tpu.memory_space<semaphore_mem>>)
      %dma_wait3A_51 = arith.constant 0 : i32
      %dma_wait3A_52 = tpu.memref_slice %arg4[%mul3A_4, %dma_wait3A_51] : memref<1280x128xi32, #tpu.memory_space<hbm>> -> memref<40x128xi32, #tpu.memory_space<hbm>>
      %dma_wait3A_53 = arith.constant 0 : i32
      %dma_wait3A_54 = tpu.memref_slice %arg4[%mul3A_4, %dma_wait3A_53] : memref<1280x128xi32, #tpu.memory_space<hbm>> -> memref<40x128xi32, #tpu.memory_space<hbm>>
      tpu.wait_dma2 semaphore(%run_scoped3A_46 : memref<!tpu.dma_semaphore, #tpu.memory_space<semaphore_mem>>) src(%dma_wait3A_54 : memref<40x128xi32, #tpu.memory_space<hbm>>) dst(%arg8 : memref<40x128xi32, #tpu.memory_space<vmem>>)
      tpu.yield
    }) : () -> ()
    %dma_start3A = arith.constant 0 : i32
    %dma_start3A_5 = arith.constant 0 : i32
    %dma_start3A_6 = tpu.memref_slice %arg7[%dma_start3A, %dma_start3A_5] : memref<40x128xi32, #tpu.memory_space<vmem>> -> memref<1x128xi32, #tpu.memory_space<vmem>>
    %dma_start3A_7 = tpu.memref_squeeze %dma_start3A_6 : memref<1x128xi32, #tpu.memory_space<vmem>> -> memref<128xi32, #tpu.memory_space<vmem>>
    %dma_start3A_8 = arith.constant 0 : i32
    %dma_start3A_9 = arith.constant 0 : i32
    %dma_start3A_10 = tpu.memref_slice %arg2[%dma_start3A_8, %dma_start3A_9] : memref<10240x128xf32, #tpu.memory_space<hbm>> -> memref<10240x128xf32, #tpu.memory_space<hbm>>
    tpu.enqueue_indirect_dma source(%dma_start3A_10 : memref<10240x128xf32, #tpu.memory_space<hbm>>) target(%arg9 : memref<128x128xf32, #tpu.memory_space<vmem>>) offsets(%dma_start3A_7 : memref<128xi32, #tpu.memory_space<vmem>>) semaphore(%arg11 : memref<!tpu.dma_semaphore, #tpu.memory_space<semaphore_mem>>)
    %dma_start3A_11 = arith.constant 1 : i32
    %dma_start3A_12 = arith.constant 0 : i32
    %dma_start3A_13 = tpu.memref_slice %arg7[%dma_start3A_11, %dma_start3A_12] : memref<40x128xi32, #tpu.memory_space<vmem>> -> memref<1x128xi32, #tpu.memory_space<vmem>>
    %dma_start3A_14 = tpu.memref_squeeze %dma_start3A_13 : memref<1x128xi32, #tpu.memory_space<vmem>> -> memref<128xi32, #tpu.memory_space<vmem>>
    %dma_start3A_15 = arith.constant 0 : i32
    %dma_start3A_16 = arith.constant 0 : i32
    %dma_start3A_17 = tpu.memref_slice %arg2[%dma_start3A_15, %dma_start3A_16] : memref<10240x128xf32, #tpu.memory_space<hbm>> -> memref<10240x128xf32, #tpu.memory_space<hbm>>
    tpu.enqueue_indirect_dma source(%dma_start3A_17 : memref<10240x128xf32, #tpu.memory_space<hbm>>) target(%arg10 : memref<128x128xf32, #tpu.memory_space<vmem>>) offsets(%dma_start3A_14 : memref<128xi32, #tpu.memory_space<vmem>>) semaphore(%arg12 : memref<!tpu.dma_semaphore, #tpu.memory_space<semaphore_mem>>)
    %mul3A_18 = arith.constant 640 : i32
    %mul3A_19 = arith.muli %arg1, %mul3A_18 : i32
    "tpu.region"() ({
      %run_scoped3A_46 = tpu.sem_alloc : memref<!tpu.dma_semaphore, #tpu.memory_space<semaphore_mem>>
      %dma_start3A_47 = arith.constant 0 : i32
      %dma_start3A_48 = tpu.memref_slice %arg13[%mul3A_19, %dma_start3A_47] : memref<10240x128xf32, #tpu.memory_space<vmem_shared>> -> memref<640x128xf32, #tpu.memory_space<vmem_shared>>
      tpu.enqueue_dma source(%arg5 : memref<640x128xf32, #tpu.memory_space<hbm>>) target(%dma_start3A_48 : memref<640x128xf32, #tpu.memory_space<vmem_shared>>) target_semaphore(%run_scoped3A_46 : memref<!tpu.dma_semaphore, #tpu.memory_space<semaphore_mem>>)
      %dma_wait3A_49 = arith.constant 0 : i32
      %dma_wait3A_50 = tpu.memref_slice %arg13[%mul3A_19, %dma_wait3A_49] : memref<10240x128xf32, #tpu.memory_space<vmem_shared>> -> memref<640x128xf32, #tpu.memory_space<vmem_shared>>
      tpu.wait_dma2 semaphore(%run_scoped3A_46 : memref<!tpu.dma_semaphore, #tpu.memory_space<semaphore_mem>>) src(%arg5 : memref<640x128xf32, #tpu.memory_space<hbm>>) dst(%dma_wait3A_50 : memref<640x128xf32, #tpu.memory_space<vmem_shared>>)
      tpu.yield
    }) : () -> ()
    %barrier3A = arith.constant 0 : index
    tpu.barrier barrier_id(%barrier3A)
    %scan3A = arith.constant 0 : i32
    %scan3A_20 = arith.constant 19 : i32
    %scan3A_21 = arith.addi %scan3A, %scan3A_20 : i32
    %scan3A_22 = arith.constant 1 : i32
    scf.for %scan3A_46 = %scan3A to %scan3A_21 step %scan3A_22  : i32 {
      %mul3A_47 = arith.constant 1 : i32
      %mul3A_48 = arith.muli %scan3A_46, %mul3A_47 : i32
      %add3A_49 = arith.constant 0 : i32
      %add3A_50 = arith.addi %add3A_49, %mul3A_48 : i32
      %mul3A_51 = arith.constant 2 : i32
      %mul3A_52 = arith.muli %mul3A_51, %add3A_50 : i32
      %dma_wait3A_53 = arith.constant 0 : i32
      %dma_wait3A_54 = tpu.memref_slice %arg7[%mul3A_52, %dma_wait3A_53] : memref<40x128xi32, #tpu.memory_space<vmem>> -> memref<1x128xi32, #tpu.memory_space<vmem>>
      %dma_wait3A_55 = tpu.memref_squeeze %dma_wait3A_54 : memref<1x128xi32, #tpu.memory_space<vmem>> -> memref<128xi32, #tpu.memory_space<vmem>>
      %dma_wait3A_56 = arith.constant 0 : i32
      %dma_wait3A_57 = arith.constant 0 : i32
      %dma_wait3A_58 = tpu.memref_slice %arg2[%dma_wait3A_56, %dma_wait3A_57] : memref<10240x128xf32, #tpu.memory_space<hbm>> -> memref<10240x128xf32, #tpu.memory_space<hbm>>
      tpu.wait_indirect_dma semaphore(%arg11 : memref<!tpu.dma_semaphore, #tpu.memory_space<semaphore_mem>>) src(%dma_wait3A_58 : memref<10240x128xf32, #tpu.memory_space<hbm>>) dst(%arg9 : memref<128x128xf32, #tpu.memory_space<vmem>>)
      "tpu.region"() ({
        %run_scoped3A_85 = tpu.sem_alloc : memref<!tpu.dma_semaphore, #tpu.memory_space<semaphore_mem>>
        %dma_start3A_86 = arith.constant 0 : i32
        %dma_start3A_87 = tpu.memref_slice %arg8[%mul3A_52, %dma_start3A_86] : memref<40x128xi32, #tpu.memory_space<vmem>> -> memref<1x128xi32, #tpu.memory_space<vmem>>
        %dma_start3A_88 = tpu.memref_squeeze %dma_start3A_87 : memref<1x128xi32, #tpu.memory_space<vmem>> -> memref<128xi32, #tpu.memory_space<vmem>>
        %dma_start3A_89 = arith.constant 0 : i32
        %dma_start3A_90 = arith.constant 0 : i32
        %dma_start3A_91 = tpu.memref_slice %arg13[%dma_start3A_89, %dma_start3A_90] : memref<10240x128xf32, #tpu.memory_space<vmem_shared>> -> memref<10240x128xf32, #tpu.memory_space<vmem_shared>>
        tpu.enqueue_indirect_dma source(%arg9 : memref<128x128xf32, #tpu.memory_space<vmem>>) target(%dma_start3A_91 : memref<10240x128xf32, #tpu.memory_space<vmem_shared>>) offsets(%dma_start3A_88 : memref<128xi32, #tpu.memory_space<vmem>>) semaphore(%run_scoped3A_85 : memref<!tpu.dma_semaphore, #tpu.memory_space<semaphore_mem>>) {add = true}
        %dma_wait3A_92 = arith.constant 0 : i32
        %dma_wait3A_93 = tpu.memref_slice %arg8[%mul3A_52, %dma_wait3A_92] : memref<40x128xi32, #tpu.memory_space<vmem>> -> memref<1x128xi32, #tpu.memory_space<vmem>>
        %dma_wait3A_94 = tpu.memref_squeeze %dma_wait3A_93 : memref<1x128xi32, #tpu.memory_space<vmem>> -> memref<128xi32, #tpu.memory_space<vmem>>
        %dma_wait3A_95 = arith.constant 0 : i32
        %dma_wait3A_96 = arith.constant 0 : i32
        %dma_wait3A_97 = tpu.memref_slice %arg13[%dma_wait3A_95, %dma_wait3A_96] : memref<10240x128xf32, #tpu.memory_space<vmem_shared>> -> memref<10240x128xf32, #tpu.memory_space<vmem_shared>>
        tpu.wait_indirect_dma semaphore(%run_scoped3A_85 : memref<!tpu.dma_semaphore, #tpu.memory_space<semaphore_mem>>) src(%arg9 : memref<128x128xf32, #tpu.memory_space<vmem>>) dst(%dma_wait3A_97 : memref<10240x128xf32, #tpu.memory_space<vmem_shared>>)
        tpu.yield
      }) : () -> ()
      %add3A_59 = arith.constant 2 : i32
      %add3A_60 = arith.addi %mul3A_52, %add3A_59 : i32
      %dma_start3A_61 = arith.constant 0 : i32
      %dma_start3A_62 = tpu.memref_slice %arg7[%add3A_60, %dma_start3A_61] : memref<40x128xi32, #tpu.memory_space<vmem>> -> memref<1x128xi32, #tpu.memory_space<vmem>>
      %dma_start3A_63 = tpu.memref_squeeze %dma_start3A_62 : memref<1x128xi32, #tpu.memory_space<vmem>> -> memref<128xi32, #tpu.memory_space<vmem>>
      %dma_start3A_64 = arith.constant 0 : i32
      %dma_start3A_65 = arith.constant 0 : i32
      %dma_start3A_66 = tpu.memref_slice %arg2[%dma_start3A_64, %dma_start3A_65] : memref<10240x128xf32, #tpu.memory_space<hbm>> -> memref<10240x128xf32, #tpu.memory_space<hbm>>
      tpu.enqueue_indirect_dma source(%dma_start3A_66 : memref<10240x128xf32, #tpu.memory_space<hbm>>) target(%arg9 : memref<128x128xf32, #tpu.memory_space<vmem>>) offsets(%dma_start3A_63 : memref<128xi32, #tpu.memory_space<vmem>>) semaphore(%arg11 : memref<!tpu.dma_semaphore, #tpu.memory_space<semaphore_mem>>)
      %add3A_67 = arith.constant 1 : i32
      %add3A_68 = arith.addi %mul3A_52, %add3A_67 : i32
      %dma_wait3A_69 = arith.constant 0 : i32
      %dma_wait3A_70 = tpu.memref_slice %arg7[%add3A_68, %dma_wait3A_69] : memref<40x128xi32, #tpu.memory_space<vmem>> -> memref<1x128xi32, #tpu.memory_space<vmem>>
      %dma_wait3A_71 = tpu.memref_squeeze %dma_wait3A_70 : memref<1x128xi32, #tpu.memory_space<vmem>> -> memref<128xi32, #tpu.memory_space<vmem>>
      %dma_wait3A_72 = arith.constant 0 : i32
      %dma_wait3A_73 = arith.constant 0 : i32
      %dma_wait3A_74 = tpu.memref_slice %arg2[%dma_wait3A_72, %dma_wait3A_73] : memref<10240x128xf32, #tpu.memory_space<hbm>> -> memref<10240x128xf32, #tpu.memory_space<hbm>>
      tpu.wait_indirect_dma semaphore(%arg12 : memref<!tpu.dma_semaphore, #tpu.memory_space<semaphore_mem>>) src(%dma_wait3A_74 : memref<10240x128xf32, #tpu.memory_space<hbm>>) dst(%arg10 : memref<128x128xf32, #tpu.memory_space<vmem>>)
      %add3A_75 = arith.constant 1 : i32
      %add3A_76 = arith.addi %mul3A_52, %add3A_75 : i32
      "tpu.region"() ({
        %run_scoped3A_85 = tpu.sem_alloc : memref<!tpu.dma_semaphore, #tpu.memory_space<semaphore_mem>>
        %dma_start3A_86 = arith.constant 0 : i32
        %dma_start3A_87 = tpu.memref_slice %arg8[%add3A_76, %dma_start3A_86] : memref<40x128xi32, #tpu.memory_space<vmem>> -> memref<1x128xi32, #tpu.memory_space<vmem>>
        %dma_start3A_88 = tpu.memref_squeeze %dma_start3A_87 : memref<1x128xi32, #tpu.memory_space<vmem>> -> memref<128xi32, #tpu.memory_space<vmem>>
        %dma_start3A_89 = arith.constant 0 : i32
        %dma_start3A_90 = arith.constant 0 : i32
        %dma_start3A_91 = tpu.memref_slice %arg13[%dma_start3A_89, %dma_start3A_90] : memref<10240x128xf32, #tpu.memory_space<vmem_shared>> -> memref<10240x128xf32, #tpu.memory_space<vmem_shared>>
        tpu.enqueue_indirect_dma source(%arg10 : memref<128x128xf32, #tpu.memory_space<vmem>>) target(%dma_start3A_91 : memref<10240x128xf32, #tpu.memory_space<vmem_shared>>) offsets(%dma_start3A_88 : memref<128xi32, #tpu.memory_space<vmem>>) semaphore(%run_scoped3A_85 : memref<!tpu.dma_semaphore, #tpu.memory_space<semaphore_mem>>) {add = true}
        %dma_wait3A_92 = arith.constant 0 : i32
        %dma_wait3A_93 = tpu.memref_slice %arg8[%add3A_76, %dma_wait3A_92] : memref<40x128xi32, #tpu.memory_space<vmem>> -> memref<1x128xi32, #tpu.memory_space<vmem>>
        %dma_wait3A_94 = tpu.memref_squeeze %dma_wait3A_93 : memref<1x128xi32, #tpu.memory_space<vmem>> -> memref<128xi32, #tpu.memory_space<vmem>>
        %dma_wait3A_95 = arith.constant 0 : i32
        %dma_wait3A_96 = arith.constant 0 : i32
        %dma_wait3A_97 = tpu.memref_slice %arg13[%dma_wait3A_95, %dma_wait3A_96] : memref<10240x128xf32, #tpu.memory_space<vmem_shared>> -> memref<10240x128xf32, #tpu.memory_space<vmem_shared>>
        tpu.wait_indirect_dma semaphore(%run_scoped3A_85 : memref<!tpu.dma_semaphore, #tpu.memory_space<semaphore_mem>>) src(%arg10 : memref<128x128xf32, #tpu.memory_space<vmem>>) dst(%dma_wait3A_97 : memref<10240x128xf32, #tpu.memory_space<vmem_shared>>)
        tpu.yield
      }) : () -> ()
      %add3A_77 = arith.constant 3 : i32
      %add3A_78 = arith.addi %mul3A_52, %add3A_77 : i32
      %dma_start3A_79 = arith.constant 0 : i32
      %dma_start3A_80 = tpu.memref_slice %arg7[%add3A_78, %dma_start3A_79] : memref<40x128xi32, #tpu.memory_space<vmem>> -> memref<1x128xi32, #tpu.memory_space<vmem>>
      %dma_start3A_81 = tpu.memref_squeeze %dma_start3A_80 : memref<1x128xi32, #tpu.memory_space<vmem>> -> memref<128xi32, #tpu.memory_space<vmem>>
      %dma_start3A_82 = arith.constant 0 : i32
      %dma_start3A_83 = arith.constant 0 : i32
      %dma_start3A_84 = tpu.memref_slice %arg2[%dma_start3A_82, %dma_start3A_83] : memref<10240x128xf32, #tpu.memory_space<hbm>> -> memref<10240x128xf32, #tpu.memory_space<hbm>>
      tpu.enqueue_indirect_dma source(%dma_start3A_84 : memref<10240x128xf32, #tpu.memory_space<hbm>>) target(%arg10 : memref<128x128xf32, #tpu.memory_space<vmem>>) offsets(%dma_start3A_81 : memref<128xi32, #tpu.memory_space<vmem>>) semaphore(%arg12 : memref<!tpu.dma_semaphore, #tpu.memory_space<semaphore_mem>>)
    }
    %scan3A_23 = arith.constant 19 : i32
    %dma_wait3A = arith.constant 38 : i32
    %dma_wait3A_24 = arith.constant 0 : i32
    %dma_wait3A_25 = tpu.memref_slice %arg7[%dma_wait3A, %dma_wait3A_24] : memref<40x128xi32, #tpu.memory_space<vmem>> -> memref<1x128xi32, #tpu.memory_space<vmem>>
    %dma_wait3A_26 = tpu.memref_squeeze %dma_wait3A_25 : memref<1x128xi32, #tpu.memory_space<vmem>> -> memref<128xi32, #tpu.memory_space<vmem>>
    %dma_wait3A_27 = arith.constant 0 : i32
    %dma_wait3A_28 = arith.constant 0 : i32
    %dma_wait3A_29 = tpu.memref_slice %arg2[%dma_wait3A_27, %dma_wait3A_28] : memref<10240x128xf32, #tpu.memory_space<hbm>> -> memref<10240x128xf32, #tpu.memory_space<hbm>>
    tpu.wait_indirect_dma semaphore(%arg11 : memref<!tpu.dma_semaphore, #tpu.memory_space<semaphore_mem>>) src(%dma_wait3A_29 : memref<10240x128xf32, #tpu.memory_space<hbm>>) dst(%arg9 : memref<128x128xf32, #tpu.memory_space<vmem>>)
    %run_scoped3A = arith.constant 38 : i32
    "tpu.region"() ({
      %run_scoped3A_46 = tpu.sem_alloc : memref<!tpu.dma_semaphore, #tpu.memory_space<semaphore_mem>>
      %dma_start3A_47 = arith.constant 0 : i32
      %dma_start3A_48 = tpu.memref_slice %arg8[%run_scoped3A, %dma_start3A_47] : memref<40x128xi32, #tpu.memory_space<vmem>> -> memref<1x128xi32, #tpu.memory_space<vmem>>
      %dma_start3A_49 = tpu.memref_squeeze %dma_start3A_48 : memref<1x128xi32, #tpu.memory_space<vmem>> -> memref<128xi32, #tpu.memory_space<vmem>>
      %dma_start3A_50 = arith.constant 0 : i32
      %dma_start3A_51 = arith.constant 0 : i32
      %dma_start3A_52 = tpu.memref_slice %arg13[%dma_start3A_50, %dma_start3A_51] : memref<10240x128xf32, #tpu.memory_space<vmem_shared>> -> memref<10240x128xf32, #tpu.memory_space<vmem_shared>>
      tpu.enqueue_indirect_dma source(%arg9 : memref<128x128xf32, #tpu.memory_space<vmem>>) target(%dma_start3A_52 : memref<10240x128xf32, #tpu.memory_space<vmem_shared>>) offsets(%dma_start3A_49 : memref<128xi32, #tpu.memory_space<vmem>>) semaphore(%run_scoped3A_46 : memref<!tpu.dma_semaphore, #tpu.memory_space<semaphore_mem>>) {add = true}
      %dma_wait3A_53 = arith.constant 0 : i32
      %dma_wait3A_54 = tpu.memref_slice %arg8[%run_scoped3A, %dma_wait3A_53] : memref<40x128xi32, #tpu.memory_space<vmem>> -> memref<1x128xi32, #tpu.memory_space<vmem>>
      %dma_wait3A_55 = tpu.memref_squeeze %dma_wait3A_54 : memref<1x128xi32, #tpu.memory_space<vmem>> -> memref<128xi32, #tpu.memory_space<vmem>>
      %dma_wait3A_56 = arith.constant 0 : i32
      %dma_wait3A_57 = arith.constant 0 : i32
      %dma_wait3A_58 = tpu.memref_slice %arg13[%dma_wait3A_56, %dma_wait3A_57] : memref<10240x128xf32, #tpu.memory_space<vmem_shared>> -> memref<10240x128xf32, #tpu.memory_space<vmem_shared>>
      tpu.wait_indirect_dma semaphore(%run_scoped3A_46 : memref<!tpu.dma_semaphore, #tpu.memory_space<semaphore_mem>>) src(%arg9 : memref<128x128xf32, #tpu.memory_space<vmem>>) dst(%dma_wait3A_58 : memref<10240x128xf32, #tpu.memory_space<vmem_shared>>)
      tpu.yield
    }) : () -> ()
    %dma_wait3A_30 = arith.constant 39 : i32
    %dma_wait3A_31 = arith.constant 0 : i32
    %dma_wait3A_32 = tpu.memref_slice %arg7[%dma_wait3A_30, %dma_wait3A_31] : memref<40x128xi32, #tpu.memory_space<vmem>> -> memref<1x128xi32, #tpu.memory_space<vmem>>
    %dma_wait3A_33 = tpu.memref_squeeze %dma_wait3A_32 : memref<1x128xi32, #tpu.memory_space<vmem>> -> memref<128xi32, #tpu.memory_space<vmem>>
    %dma_wait3A_34 = arith.constant 0 : i32
    %dma_wait3A_35 = arith.constant 0 : i32
    %dma_wait3A_36 = tpu.memref_slice %arg2[%dma_wait3A_34, %dma_wait3A_35] : memref<10240x128xf32, #tpu.memory_space<hbm>> -> memref<10240x128xf32, #tpu.memory_space<hbm>>
    tpu.wait_indirect_dma semaphore(%arg12 : memref<!tpu.dma_semaphore, #tpu.memory_space<semaphore_mem>>) src(%dma_wait3A_36 : memref<10240x128xf32, #tpu.memory_space<hbm>>) dst(%arg10 : memref<128x128xf32, #tpu.memory_space<vmem>>)
    %run_scoped3A_37 = arith.constant 39 : i32
    "tpu.region"() ({
      %run_scoped3A_46 = tpu.sem_alloc : memref<!tpu.dma_semaphore, #tpu.memory_space<semaphore_mem>>
      %dma_start3A_47 = arith.constant 0 : i32
      %dma_start3A_48 = tpu.memref_slice %arg8[%run_scoped3A_37, %dma_start3A_47] : memref<40x128xi32, #tpu.memory_space<vmem>> -> memref<1x128xi32, #tpu.memory_space<vmem>>
      %dma_start3A_49 = tpu.memref_squeeze %dma_start3A_48 : memref<1x128xi32, #tpu.memory_space<vmem>> -> memref<128xi32, #tpu.memory_space<vmem>>
      %dma_start3A_50 = arith.constant 0 : i32
      %dma_start3A_51 = arith.constant 0 : i32
      %dma_start3A_52 = tpu.memref_slice %arg13[%dma_start3A_50, %dma_start3A_51] : memref<10240x128xf32, #tpu.memory_space<vmem_shared>> -> memref<10240x128xf32, #tpu.memory_space<vmem_shared>>
      tpu.enqueue_indirect_dma source(%arg10 : memref<128x128xf32, #tpu.memory_space<vmem>>) target(%dma_start3A_52 : memref<10240x128xf32, #tpu.memory_space<vmem_shared>>) offsets(%dma_start3A_49 : memref<128xi32, #tpu.memory_space<vmem>>) semaphore(%run_scoped3A_46 : memref<!tpu.dma_semaphore, #tpu.memory_space<semaphore_mem>>) {add = true}
      %dma_wait3A_53 = arith.constant 0 : i32
      %dma_wait3A_54 = tpu.memref_slice %arg8[%run_scoped3A_37, %dma_wait3A_53] : memref<40x128xi32, #tpu.memory_space<vmem>> -> memref<1x128xi32, #tpu.memory_space<vmem>>
      %dma_wait3A_55 = tpu.memref_squeeze %dma_wait3A_54 : memref<1x128xi32, #tpu.memory_space<vmem>> -> memref<128xi32, #tpu.memory_space<vmem>>
      %dma_wait3A_56 = arith.constant 0 : i32
      %dma_wait3A_57 = arith.constant 0 : i32
      %dma_wait3A_58 = tpu.memref_slice %arg13[%dma_wait3A_56, %dma_wait3A_57] : memref<10240x128xf32, #tpu.memory_space<vmem_shared>> -> memref<10240x128xf32, #tpu.memory_space<vmem_shared>>
      tpu.wait_indirect_dma semaphore(%run_scoped3A_46 : memref<!tpu.dma_semaphore, #tpu.memory_space<semaphore_mem>>) src(%arg10 : memref<128x128xf32, #tpu.memory_space<vmem>>) dst(%dma_wait3A_58 : memref<10240x128xf32, #tpu.memory_space<vmem_shared>>)
      tpu.yield
    }) : () -> ()
    %barrier3A_38 = arith.constant 0 : index
    tpu.barrier barrier_id(%barrier3A_38)
    %mul3A_39 = arith.constant 640 : i32
    %mul3A_40 = arith.muli %arg1, %mul3A_39 : i32
    %mul3A_41 = arith.constant 10240 : i32
    %mul3A_42 = arith.muli %arg0, %mul3A_41 : i32
    %mul3A_43 = arith.constant 640 : i32
    %mul3A_44 = arith.muli %arg1, %mul3A_43 : i32
    %add3A_45 = arith.addi %mul3A_42, %mul3A_44 : i32
    "tpu.region"() ({
      %run_scoped3A_46 = tpu.sem_alloc : memref<!tpu.dma_semaphore, #tpu.memory_space<semaphore_mem>>
      %dma_start3A_47 = arith.constant 0 : i32
      %dma_start3A_48 = tpu.memref_slice %arg6[%add3A_45, %dma_start3A_47] : memref<20480x128xf32, #tpu.memory_space<hbm>> -> memref<640x128xf32, #tpu.memory_space<hbm>>
      %dma_start3A_49 = arith.constant 0 : i32
      %dma_start3A_50 = tpu.memref_slice %arg13[%mul3A_40, %dma_start3A_49] : memref<10240x128xf32, #tpu.memory_space<vmem_shared>> -> memref<640x128xf32, #tpu.memory_space<vmem_shared>>
      tpu.enqueue_dma source(%dma_start3A_50 : memref<640x128xf32, #tpu.memory_space<vmem_shared>>) target(%dma_start3A_48 : memref<640x128xf32, #tpu.memory_space<hbm>>) target_semaphore(%run_scoped3A_46 : memref<!tpu.dma_semaphore, #tpu.memory_space<semaphore_mem>>)
      %dma_wait3A_51 = arith.constant 0 : i32
      %dma_wait3A_52 = tpu.memref_slice %arg6[%add3A_45, %dma_wait3A_51] : memref<20480x128xf32, #tpu.memory_space<hbm>> -> memref<640x128xf32, #tpu.memory_space<hbm>>
      %dma_wait3A_53 = arith.constant 0 : i32
      %dma_wait3A_54 = tpu.memref_slice %arg13[%mul3A_40, %dma_wait3A_53] : memref<10240x128xf32, #tpu.memory_space<vmem_shared>> -> memref<640x128xf32, #tpu.memory_space<vmem_shared>>
      tpu.wait_dma2 semaphore(%run_scoped3A_46 : memref<!tpu.dma_semaphore, #tpu.memory_space<semaphore_mem>>) src(%dma_wait3A_54 : memref<640x128xf32, #tpu.memory_space<vmem_shared>>) dst(%dma_wait3A_52 : memref<640x128xf32, #tpu.memory_space<hbm>>)
      tpu.yield
    }) : () -> ()
    return
  }
}

module attributes {stable_mosaic.version = 14 : i64} {
  func.func @_b_body(%arg0: i32, %arg1: memref<1024x1xf32, #tpu.memory_space<vmem>>, %arg2: memref<1024x1xf32, #tpu.memory_space<vmem>>, %arg3: memref<1024x128xf32, #tpu.memory_space<vmem>>, %arg4: memref<1024x128xf32, #tpu.memory_space<vmem>>, %arg5: memref<1024x1xf32, #tpu.memory_space<vmem>>) attributes {dimension_semantics = [#tpu.dimension_semantics<arbitrary>], iteration_bounds = array<i64: 10>, scalar_prefetch = 0 : i64, scratch_operands = 0 : i64, tpu.core_type = #tpu.core_type<tc>, window_params = [{transform_indices = @transform_0, window_bounds = array<i64: 1024, 1>}, {transform_indices = @transform_1, window_bounds = array<i64: 1024, 1>}, {transform_indices = @transform_2, window_bounds = array<i64: 1024, 128>}, {transform_indices = @transform_3, window_bounds = array<i64: 1024, 128>}, {transform_indices = @transform_4, window_bounds = array<i64: 1024, 1>}]} {
    %get3A = arith.constant 0 : index
    %get3A_0 = arith.constant 0 : index
    %get3A_1 = vector.load %arg1[%get3A, %get3A_0] : memref<1024x1xf32, #tpu.memory_space<vmem>>, vector<1024x1xf32>
    %get3A_2 = arith.constant 0 : index
    %get3A_3 = arith.constant 0 : index
    %get3A_4 = vector.load %arg2[%get3A_2, %get3A_3] : memref<1024x1xf32, #tpu.memory_space<vmem>>, vector<1024x1xf32>
    %add3A = arith.addf %get3A_1, %get3A_4 : vector<1024x1xf32>
    %add3A_5 = arith.constant 1.000000e+00 : f32
    %add3A_6 = vector.broadcast %add3A_5 : f32 to vector<1024x1xf32>
    %add3A_7 = arith.addf %add3A, %add3A_6 : vector<1024x1xf32>
    %rsqrt3A = math.rsqrt %add3A_7 : vector<1024x1xf32>
    %swap3A = arith.constant 0 : index
    %swap3A_8 = arith.constant 0 : index
    %swap3A_9 = vector.load %arg5[%swap3A, %swap3A_8] : memref<1024x1xf32, #tpu.memory_space<vmem>>, vector<1024x1xf32>
    tpu.vector_store %arg5[%swap3A, %swap3A_8], %rsqrt3A {strides = array<i32>} : memref<1024x1xf32, #tpu.memory_space<vmem>>, vector<1024x1xf32>,
    %broadcast_in_dim3A = vector.shape_cast %rsqrt3A : vector<1024x1xf32> to vector<1024x1xf32>
    %broadcast_in_dim3A_10 = vector.broadcast %broadcast_in_dim3A : vector<1024x1xf32> to vector<1024x128xf32>
    %get3A_11 = arith.constant 0 : index
    %get3A_12 = arith.constant 0 : index
    %get3A_13 = vector.load %arg3[%get3A_11, %get3A_12] : memref<1024x128xf32, #tpu.memory_space<vmem>>, vector<1024x128xf32>
    %mul3A = arith.mulf %broadcast_in_dim3A_10, %get3A_13 : vector<1024x128xf32>
    %swap3A_14 = arith.constant 0 : index
    %swap3A_15 = arith.constant 0 : index
    %swap3A_16 = vector.load %arg4[%swap3A_14, %swap3A_15] : memref<1024x128xf32, #tpu.memory_space<vmem>>, vector<1024x128xf32>
    tpu.vector_store %arg4[%swap3A_14, %swap3A_15], %mul3A {strides = array<i32>} : memref<1024x128xf32, #tpu.memory_space<vmem>>, vector<1024x128xf32>,
    return
  }
  func.func @transform_0(%arg0: i32) -> (i32, i32) {
    %c0_i32 = arith.constant 0 : i32
    %c0_i32_0 = arith.constant 0 : i32
    return %arg0, %c0_i32 : i32, i32
  }
  func.func @transform_1(%arg0: i32) -> (i32, i32) {
    %c0_i32 = arith.constant 0 : i32
    %c0_i32_0 = arith.constant 0 : i32
    return %arg0, %c0_i32 : i32, i32
  }
  func.func @transform_2(%arg0: i32) -> (i32, i32) {
    %c0_i32 = arith.constant 0 : i32
    %c0_i32_0 = arith.constant 0 : i32
    return %arg0, %c0_i32 : i32, i32
  }
  func.func @transform_3(%arg0: i32) -> (i32, i32) {
    %c0_i32 = arith.constant 0 : i32
    %c0_i32_0 = arith.constant 0 : i32
    return %arg0, %c0_i32 : i32, i32
  }
  func.func @transform_4(%arg0: i32) -> (i32, i32) {
    %c0_i32 = arith.constant 0 : i32
    %c0_i32_0 = arith.constant 0 : i32
    return %arg0, %c0_i32 : i32, i32
  }
}

module attributes {stable_mosaic.version = 14 : i64} {
  func.func @_d_body(%arg0: i32, %arg1: memref<1024x128xf32, #tpu.memory_space<vmem>>, %arg2: memref<1024x128xf32, #tpu.memory_space<vmem>>, %arg3: memref<1024x128xf32, #tpu.memory_space<vmem>>, %arg4: memref<1024x1xf32, #tpu.memory_space<vmem>>, %arg5: memref<128x512xf32, #tpu.memory_space<vmem>>, %arg6: memref<1x512xf32, #tpu.memory_space<vmem>>, %arg7: memref<512x128xf32, #tpu.memory_space<vmem>>, %arg8: memref<1024x128xf32, #tpu.memory_space<vmem>>, %arg9: memref<1024x128xf32, #tpu.memory_space<vmem>>) attributes {dimension_semantics = [#tpu.dimension_semantics<arbitrary>], iteration_bounds = array<i64: 10>, scalar_prefetch = 0 : i64, scratch_operands = 0 : i64, tpu.core_type = #tpu.core_type<tc>, window_params = [{transform_indices = @transform_0, window_bounds = array<i64: 1024, 128>}, {transform_indices = @transform_1, window_bounds = array<i64: 1024, 128>}, {transform_indices = @transform_2, window_bounds = array<i64: 1024, 128>}, {transform_indices = @transform_3, window_bounds = array<i64: 1024, 1>}, {pipeline_mode = #tpu.pipeline_mode<synchronous>, transform_indices = @transform_4, window_bounds = array<i64: 128, 512>}, {pipeline_mode = #tpu.pipeline_mode<synchronous>, transform_indices = @transform_5, window_bounds = array<i64: 1, 512>}, {pipeline_mode = #tpu.pipeline_mode<synchronous>, transform_indices = @transform_6, window_bounds = array<i64: 512, 128>}, {transform_indices = @transform_7, window_bounds = array<i64: 1024, 128>}, {transform_indices = @transform_8, window_bounds = array<i64: 1024, 128>}]} {
    %get3A = arith.constant 0 : index
    %get3A_0 = arith.constant 0 : index
    %get3A_1 = vector.load %arg4[%get3A, %get3A_0] : memref<1024x1xf32, #tpu.memory_space<vmem>>, vector<1024x1xf32>
    %broadcast_in_dim3A = vector.shape_cast %get3A_1 : vector<1024x1xf32> to vector<1024x1xf32>
    %broadcast_in_dim3A_2 = vector.broadcast %broadcast_in_dim3A : vector<1024x1xf32> to vector<1024x128xf32>
    %get3A_3 = arith.constant 0 : index
    %get3A_4 = arith.constant 0 : index
    %get3A_5 = vector.load %arg1[%get3A_3, %get3A_4] : memref<1024x128xf32, #tpu.memory_space<vmem>>, vector<1024x128xf32>
    %get3A_6 = arith.constant 0 : index
    %get3A_7 = arith.constant 0 : index
    %get3A_8 = vector.load %arg2[%get3A_6, %get3A_7] : memref<1024x128xf32, #tpu.memory_space<vmem>>, vector<1024x128xf32>
    %add3A = arith.addf %get3A_5, %get3A_8 : vector<1024x128xf32>
    %mul3A = arith.mulf %broadcast_in_dim3A_2, %add3A : vector<1024x128xf32>
    %mul3A_9 = arith.mulf %broadcast_in_dim3A_2, %broadcast_in_dim3A_2 : vector<1024x128xf32>
    %get3A_10 = arith.constant 0 : index
    %get3A_11 = arith.constant 0 : index
    %get3A_12 = vector.load %arg3[%get3A_10, %get3A_11] : memref<1024x128xf32, #tpu.memory_space<vmem>>, vector<1024x128xf32>
    %mul3A_13 = arith.mulf %mul3A_9, %get3A_12 : vector<1024x128xf32>
    %add3A_14 = arith.addf %mul3A, %mul3A_13 : vector<1024x128xf32>
    %get3A_15 = arith.constant 0 : index
    %get3A_16 = arith.constant 0 : index
    %get3A_17 = vector.load %arg5[%get3A_15, %get3A_16] : memref<128x512xf32, #tpu.memory_space<vmem>>, vector<128x512xf32>
    %dot_general3A = arith.constant dense<0.000000e+00> : vector<1024x512xf32>
    %dot_general3A_18 = tpu.matmul %add3A_14, %get3A_17, %dot_general3A {dimension_numbers = #tpu.dot_dimension_numbers<[1], [0], [0], [1], [0, 0, 1, 1], [], []>, transpose_lhs_hint = false} : vector<1024x128xf32>, vector<128x512xf32>, vector<1024x512xf32> -> vector<1024x512xf32>
    %get3A_19 = arith.constant 0 : index
    %get3A_20 = arith.constant 0 : index
    %get3A_21 = vector.load %arg6[%get3A_19, %get3A_20] : memref<1x512xf32, #tpu.memory_space<vmem>>, vector<1x512xf32>
    %add3A_22 = vector.broadcast %get3A_21 : vector<1x512xf32> to vector<1024x512xf32>
    %add3A_23 = arith.addf %dot_general3A_18, %add3A_22 : vector<1024x512xf32>
    %max3A = arith.constant 0.000000e+00 : f32
    %max3A_24 = vector.broadcast %max3A : f32 to vector<1024x512xf32>
    %max3A_25 = arith.maximumf %add3A_23, %max3A_24 : vector<1024x512xf32>
    %get3A_26 = arith.constant 0 : index
    %get3A_27 = arith.constant 0 : index
    %get3A_28 = vector.load %arg7[%get3A_26, %get3A_27] : memref<512x128xf32, #tpu.memory_space<vmem>>, vector<512x128xf32>
    %dot_general3A_29 = arith.constant dense<0.000000e+00> : vector<1024x128xf32>
    %dot_general3A_30 = tpu.matmul %max3A_25, %get3A_28, %dot_general3A_29 {dimension_numbers = #tpu.dot_dimension_numbers<[1], [0], [0], [1], [0, 0, 1, 1], [], []>, transpose_lhs_hint = false} : vector<1024x512xf32>, vector<512x128xf32>, vector<1024x128xf32> -> vector<1024x128xf32>
    %swap3A = arith.constant 0 : index
    %swap3A_31 = arith.constant 0 : index
    %swap3A_32 = vector.load %arg9[%swap3A, %swap3A_31] : memref<1024x128xf32, #tpu.memory_space<vmem>>, vector<1024x128xf32>
    tpu.vector_store %arg9[%swap3A, %swap3A_31], %dot_general3A_30 {strides = array<i32>} : memref<1024x128xf32, #tpu.memory_space<vmem>>, vector<1024x128xf32>,
    %mul3A_33 = arith.mulf %broadcast_in_dim3A_2, %dot_general3A_30 : vector<1024x128xf32>
    %swap3A_34 = arith.constant 0 : index
    %swap3A_35 = arith.constant 0 : index
    %swap3A_36 = vector.load %arg8[%swap3A_34, %swap3A_35] : memref<1024x128xf32, #tpu.memory_space<vmem>>, vector<1024x128xf32>
    tpu.vector_store %arg8[%swap3A_34, %swap3A_35], %mul3A_33 {strides = array<i32>} : memref<1024x128xf32, #tpu.memory_space<vmem>>, vector<1024x128xf32>,
    return
  }
  func.func @transform_0(%arg0: i32) -> (i32, i32) {
    %c0_i32 = arith.constant 0 : i32
    %c0_i32_0 = arith.constant 0 : i32
    return %arg0, %c0_i32 : i32, i32
  }
  func.func @transform_1(%arg0: i32) -> (i32, i32) {
    %add3A = arith.constant 10 : i32
    %add3A_0 = arith.addi %arg0, %add3A : i32
    %c0_i32 = arith.constant 0 : i32
    %c0_i32_1 = arith.constant 0 : i32
    return %add3A_0, %c0_i32 : i32, i32
  }
  func.func @transform_2(%arg0: i32) -> (i32, i32) {
    %c0_i32 = arith.constant 0 : i32
    %c0_i32_0 = arith.constant 0 : i32
    return %arg0, %c0_i32 : i32, i32
  }
  func.func @transform_3(%arg0: i32) -> (i32, i32) {
    %c0_i32 = arith.constant 0 : i32
    %c0_i32_0 = arith.constant 0 : i32
    return %arg0, %c0_i32 : i32, i32
  }
  func.func @transform_4(%arg0: i32) -> (i32, i32) {
    %c0_i32 = arith.constant 0 : i32
    %c0_i32_0 = arith.constant 0 : i32
    %c0_i32_1 = arith.constant 0 : i32
    return %c0_i32, %c0_i32_0 : i32, i32
  }
  func.func @transform_5(%arg0: i32) -> (i32, i32) {
    %c0_i32 = arith.constant 0 : i32
    %c0_i32_0 = arith.constant 0 : i32
    %c0_i32_1 = arith.constant 0 : i32
    return %c0_i32, %c0_i32_0 : i32, i32
  }
  func.func @transform_6(%arg0: i32) -> (i32, i32) {
    %c0_i32 = arith.constant 0 : i32
    %c0_i32_0 = arith.constant 0 : i32
    %c0_i32_1 = arith.constant 0 : i32
    return %c0_i32, %c0_i32_0 : i32, i32
  }
  func.func @transform_7(%arg0: i32) -> (i32, i32) {
    %c0_i32 = arith.constant 0 : i32
    %c0_i32_0 = arith.constant 0 : i32
    return %arg0, %c0_i32 : i32, i32
  }
  func.func @transform_8(%arg0: i32) -> (i32, i32) {
    %c0_i32 = arith.constant 0 : i32
    %c0_i32_0 = arith.constant 0 : i32
    return %arg0, %c0_i32 : i32, i32
  }
}

module attributes {stable_mosaic.version = 14 : i64} {
  func.func @_f_body(%arg0: i32, %arg1: memref<1024x128xf32, #tpu.memory_space<vmem>>, %arg2: memref<1024x128xf32, #tpu.memory_space<vmem>>, %arg3: memref<1024x128xf32, #tpu.memory_space<vmem>>, %arg4: memref<1024x1xf32, #tpu.memory_space<vmem>>, %arg5: memref<1x128xf32, #tpu.memory_space<vmem>>, %arg6: memref<1024x128xf32, #tpu.memory_space<vmem>>) attributes {dimension_semantics = [#tpu.dimension_semantics<arbitrary>], iteration_bounds = array<i64: 10>, scalar_prefetch = 0 : i64, scratch_operands = 0 : i64, tpu.core_type = #tpu.core_type<tc>, window_params = [{transform_indices = @transform_0, window_bounds = array<i64: 1024, 128>}, {transform_indices = @transform_1, window_bounds = array<i64: 1024, 128>}, {transform_indices = @transform_2, window_bounds = array<i64: 1024, 128>}, {transform_indices = @transform_3, window_bounds = array<i64: 1024, 1>}, {pipeline_mode = #tpu.pipeline_mode<synchronous>, transform_indices = @transform_4, window_bounds = array<i64: 1, 128>}, {transform_indices = @transform_5, window_bounds = array<i64: 1024, 128>}]} {
    %get3A = arith.constant 0 : index
    %get3A_0 = arith.constant 0 : index
    %get3A_1 = vector.load %arg4[%get3A, %get3A_0] : memref<1024x1xf32, #tpu.memory_space<vmem>>, vector<1024x1xf32>
    %broadcast_in_dim3A = vector.shape_cast %get3A_1 : vector<1024x1xf32> to vector<1024x1xf32>
    %broadcast_in_dim3A_2 = vector.broadcast %broadcast_in_dim3A : vector<1024x1xf32> to vector<1024x128xf32>
    %get3A_3 = arith.constant 0 : index
    %get3A_4 = arith.constant 0 : index
    %get3A_5 = vector.load %arg1[%get3A_3, %get3A_4] : memref<1024x128xf32, #tpu.memory_space<vmem>>, vector<1024x128xf32>
    %get3A_6 = arith.constant 0 : index
    %get3A_7 = arith.constant 0 : index
    %get3A_8 = vector.load %arg2[%get3A_6, %get3A_7] : memref<1024x128xf32, #tpu.memory_space<vmem>>, vector<1024x128xf32>
    %add3A = arith.addf %get3A_5, %get3A_8 : vector<1024x128xf32>
    %mul3A = arith.mulf %broadcast_in_dim3A_2, %add3A : vector<1024x128xf32>
    %mul3A_9 = arith.mulf %broadcast_in_dim3A_2, %broadcast_in_dim3A_2 : vector<1024x128xf32>
    %get3A_10 = arith.constant 0 : index
    %get3A_11 = arith.constant 0 : index
    %get3A_12 = vector.load %arg3[%get3A_10, %get3A_11] : memref<1024x128xf32, #tpu.memory_space<vmem>>, vector<1024x128xf32>
    %mul3A_13 = arith.mulf %mul3A_9, %get3A_12 : vector<1024x128xf32>
    %add3A_14 = arith.addf %mul3A, %mul3A_13 : vector<1024x128xf32>
    %get3A_15 = arith.constant 0 : index
    %get3A_16 = arith.constant 0 : index
    %get3A_17 = vector.load %arg5[%get3A_15, %get3A_16] : memref<1x128xf32, #tpu.memory_space<vmem>>, vector<1x128xf32>
    %add3A_18 = vector.broadcast %get3A_17 : vector<1x128xf32> to vector<1024x128xf32>
    %add3A_19 = arith.addf %add3A_14, %add3A_18 : vector<1024x128xf32>
    %slice3A = vector.extract_strided_slice %add3A_19 {offsets = [0, 0], sizes = [1024, 32], strides = [1, 1]} : vector<1024x128xf32> to vector<1024x32xf32>
    %mul3A_20 = arith.mulf %slice3A, %slice3A : vector<1024x32xf32>
    %reduce_sum3A = arith.constant dense<0.000000e+00> : vector<1024xf32>
    %reduce_sum3A_21 = vector.multi_reduction <add>, %mul3A_20, %reduce_sum3A [1] : vector<1024x32xf32> to vector<1024xf32>
    %broadcast_in_dim3A_22 = vector.shape_cast %reduce_sum3A_21 : vector<1024xf32> to vector<1024x1xf32>
    %sqrt3A = math.sqrt %broadcast_in_dim3A_22 : vector<1024x1xf32>
    %max3A = arith.constant 9.99999996E-13 : f32
    %max3A_23 = vector.broadcast %max3A : f32 to vector<1024x1xf32>
    %max3A_24 = arith.maximumf %sqrt3A, %max3A_23 : vector<1024x1xf32>
    %div3A = vector.broadcast %max3A_24 : vector<1024x1xf32> to vector<1024x32xf32>
    %div3A_25 = arith.divf %slice3A, %div3A : vector<1024x32xf32>
    %slice3A_26 = vector.extract_strided_slice %add3A_19 {offsets = [0, 32], sizes = [1024, 32], strides = [1, 1]} : vector<1024x128xf32> to vector<1024x32xf32>
    %mul3A_27 = arith.mulf %slice3A_26, %slice3A_26 : vector<1024x32xf32>
    %reduce_sum3A_28 = arith.constant dense<0.000000e+00> : vector<1024xf32>
    %reduce_sum3A_29 = vector.multi_reduction <add>, %mul3A_27, %reduce_sum3A_28 [1] : vector<1024x32xf32> to vector<1024xf32>
    %broadcast_in_dim3A_30 = vector.shape_cast %reduce_sum3A_29 : vector<1024xf32> to vector<1024x1xf32>
    %sqrt3A_31 = math.sqrt %broadcast_in_dim3A_30 : vector<1024x1xf32>
    %max3A_32 = arith.constant 9.99999996E-13 : f32
    %max3A_33 = vector.broadcast %max3A_32 : f32 to vector<1024x1xf32>
    %max3A_34 = arith.maximumf %sqrt3A_31, %max3A_33 : vector<1024x1xf32>
    %div3A_35 = vector.broadcast %max3A_34 : vector<1024x1xf32> to vector<1024x32xf32>
    %div3A_36 = arith.divf %slice3A_26, %div3A_35 : vector<1024x32xf32>
    %slice3A_37 = vector.extract_strided_slice %add3A_19 {offsets = [0, 64], sizes = [1024, 32], strides = [1, 1]} : vector<1024x128xf32> to vector<1024x32xf32>
    %mul3A_38 = arith.mulf %slice3A_37, %slice3A_37 : vector<1024x32xf32>
    %reduce_sum3A_39 = arith.constant dense<0.000000e+00> : vector<1024xf32>
    %reduce_sum3A_40 = vector.multi_reduction <add>, %mul3A_38, %reduce_sum3A_39 [1] : vector<1024x32xf32> to vector<1024xf32>
    %broadcast_in_dim3A_41 = vector.shape_cast %reduce_sum3A_40 : vector<1024xf32> to vector<1024x1xf32>
    %sqrt3A_42 = math.sqrt %broadcast_in_dim3A_41 : vector<1024x1xf32>
    %max3A_43 = arith.constant 9.99999996E-13 : f32
    %max3A_44 = vector.broadcast %max3A_43 : f32 to vector<1024x1xf32>
    %max3A_45 = arith.maximumf %sqrt3A_42, %max3A_44 : vector<1024x1xf32>
    %div3A_46 = vector.broadcast %max3A_45 : vector<1024x1xf32> to vector<1024x32xf32>
    %div3A_47 = arith.divf %slice3A_37, %div3A_46 : vector<1024x32xf32>
    %slice3A_48 = vector.extract_strided_slice %add3A_19 {offsets = [0, 96], sizes = [1024, 32], strides = [1, 1]} : vector<1024x128xf32> to vector<1024x32xf32>
    %mul3A_49 = arith.mulf %slice3A_48, %slice3A_48 : vector<1024x32xf32>
    %reduce_sum3A_50 = arith.constant dense<0.000000e+00> : vector<1024xf32>
    %reduce_sum3A_51 = vector.multi_reduction <add>, %mul3A_49, %reduce_sum3A_50 [1] : vector<1024x32xf32> to vector<1024xf32>
    %broadcast_in_dim3A_52 = vector.shape_cast %reduce_sum3A_51 : vector<1024xf32> to vector<1024x1xf32>
    %sqrt3A_53 = math.sqrt %broadcast_in_dim3A_52 : vector<1024x1xf32>
    %max3A_54 = arith.constant 9.99999996E-13 : f32
    %max3A_55 = vector.broadcast %max3A_54 : f32 to vector<1024x1xf32>
    %max3A_56 = arith.maximumf %sqrt3A_53, %max3A_55 : vector<1024x1xf32>
    %div3A_57 = vector.broadcast %max3A_56 : vector<1024x1xf32> to vector<1024x32xf32>
    %div3A_58 = arith.divf %slice3A_48, %div3A_57 : vector<1024x32xf32>
    %concatenate3A = tpu.concatenate %div3A_25, %div3A_36, %div3A_47, %div3A_58 in 1 : vector<1024x32xf32>, vector<1024x32xf32>, vector<1024x32xf32>, vector<1024x32xf32> -> vector<1024x128xf32>
    %swap3A = arith.constant 0 : index
    %swap3A_59 = arith.constant 0 : index
    %swap3A_60 = vector.load %arg6[%swap3A, %swap3A_59] : memref<1024x128xf32, #tpu.memory_space<vmem>>, vector<1024x128xf32>
    tpu.vector_store %arg6[%swap3A, %swap3A_59], %concatenate3A {strides = array<i32>} : memref<1024x128xf32, #tpu.memory_space<vmem>>, vector<1024x128xf32>,
    return
  }
  func.func @transform_0(%arg0: i32) -> (i32, i32) {
    %c0_i32 = arith.constant 0 : i32
    %c0_i32_0 = arith.constant 0 : i32
    return %arg0, %c0_i32 : i32, i32
  }
  func.func @transform_1(%arg0: i32) -> (i32, i32) {
    %add3A = arith.constant 10 : i32
    %add3A_0 = arith.addi %arg0, %add3A : i32
    %c0_i32 = arith.constant 0 : i32
    %c0_i32_1 = arith.constant 0 : i32
    return %add3A_0, %c0_i32 : i32, i32
  }
  func.func @transform_2(%arg0: i32) -> (i32, i32) {
    %c0_i32 = arith.constant 0 : i32
    %c0_i32_0 = arith.constant 0 : i32
    return %arg0, %c0_i32 : i32, i32
  }
  func.func @transform_3(%arg0: i32) -> (i32, i32) {
    %c0_i32 = arith.constant 0 : i32
    %c0_i32_0 = arith.constant 0 : i32
    return %arg0, %c0_i32 : i32, i32
  }
  func.func @transform_4(%arg0: i32) -> (i32, i32) {
    %c0_i32 = arith.constant 0 : i32
    %c0_i32_0 = arith.constant 0 : i32
    %c0_i32_1 = arith.constant 0 : i32
    return %c0_i32, %c0_i32_0 : i32, i32
  }
  func.func @transform_5(%arg0: i32) -> (i32, i32) {
    %c0_i32 = arith.constant 0 : i32
    %c0_i32_0 = arith.constant 0 : i32
    return %arg0, %c0_i32 : i32, i32
  }
}

</mosaic_0001>

<sc_bundles>
// kernel: kernel.11.cloned.1.call-start
scs
__scs_entry_jumppad:
0x0: {  	(pc) =	sbr.rel $0x88, $3  }
0x1: {  	(tag) =	ssettag $0x0;
	lr =	simm.s32 $0x1  }
0x2: {  	[smem:$0x3F9B] =	sst lr;
	_ =	strace $0xD0000000  }
0x3: {  	_ = 	snop  }
0x4: {  	_ = 	snop  }
0x5: {  	_ = 	snop  }
0x6: {  	_ = 	snop  }
0x7: {  	_ = 	snop  }
__scs_overlays_trampoline_lowered:
0x8: {  	[smem:$0x3FAA] =	sst s0  }
0x9: {  	[smem:$0x3FAB] =	sst s1  }
0xa: {  	[smem:$0x3FAC] =	sst s2  }
0xb: {  	[smem:$0x3FAD] =	sst s3  }
0xc: {  	[smem:$0x3FAE] =	sst s4  }
0xd: {  	[smem:$0x3FAF] =	sst s5  }
0xe: {  	[smem:$0x3FB0] =	sst s6  }
0xf: {  	[smem:$0x3FB1] =	sst s7  }
0x10: {  	[smem:$0x3FB2] =	sst s8  }
0x11: {  	[smem:$0x3FB3] =	sst s9;
	s0 =	simm.s32 @!p0 $0x0  }
0x12: {  	s1 =	sld [smem:$0x3F99];
	s0 =	simm.s32 @p0 $0x1  }
0x13: {  	[smem:$0x3FB4] =	sst s0;
	s0 =	simm.s32 @!p1 $0x0  }
0x14: {  	s2 =	sld [smem:$0x3F98];
	s0 =	simm.s32 @p1 $0x1  }
0x15: {  	[smem:$0x3FB5] =	sst s0;
	s0 =	simm.s32 @!p2 $0x0  }
0x16: {  	s3 =	sld [smem:$0x3FDB];
	s0 =	simm.s32 @p2 $0x1  }
0x17: {  	s4 =	simm.s32 $0x1BF5;
	[smem:$0x3FB7] =	sst s0  }
0x18: {  	s0 =	sld [smem:$0x3F9A];
	_ =	swait.ge [sflag:s4], $0x0  }
0x19: {  	s7 =	sld [smem:$0x3F9B]  }
0x1a: {  	s8 =	sadd.s32 $0xFFFFE003, lr  }
0x1b: {  	s9 =	sadd.s32 $0xFFFFFEF7, lr;
	s5 =	simm.s32 $0xFFFFFFFF;
	p2 =	slt.u32 s8, $0xFFFFF086  }
0x1c: {  	p1 =	slt.u32 s9, $0xF7A;
	s5 =	simm.s32 @!p2 $0x0  }
0x1d: {  	s5 =	simm.s32 @p1 $0x1;
	p0 =	seq.s32 s7, s2  }
0x1e: {  	s7 =	smul.u32 @!p0 $0xF7A, s2;
	p2 =	seq.s32 @!p0 s5, $0x0  }
0x1f: {  	s9 =	smul.u32 $0xF7A, s1;
	s8 =	simm.s32 @!p0 $0x1BF5;
	p2 =	por !p2, p0  }
0x20: {  	[sflag:s8] =	ssyncset.s32 @!p0 $0xFFFFF086;
	s6 =	sadd.s32 @!p0 s3, s7;
	s7 =	simm.s32 @!p0 $0x108  }
0x21: {  	s3 =	sadd.s32 s3, s9;
	s6 =	sadd.s32 @!p0 $0x88, s6;
	s7 =	simm.s32 @p2 $0x1082  }
0x22: {  	[simem:s7], [sflag:s8] =	dma.local @!p0 [hbm:s6], $0xF7A  }
0x23: {  	s9 =	sor.u32 $0xD0000000, s2;
	s6 =	simm.s32 $0x108;
	_ =	swait.ge @!p0 [sflag:s8], $0x0  }
0x24: {  	s3 =	sadd.s32 $0x88, s3;
	s6 =	simm.s32 @!p1 $0x1082;
	[sflag:s4] =	ssyncset.s32 $0xFFFFF086  }
0x25: {  	[simem:s6], [sflag:s4] =	dma.local [hbm:s3], $0xF7A  }
0x26: {  	[smem:$0x3F9B] =	sst s1;
	(tag) =	ssettag s2;
	_ =	strace s9  }
0x27: {  	s1 =	sld [smem:$0x3FAB]  }
0x28: {  	s2 =	sld [smem:$0x3FAC]  }
0x29: {  	s4 =	sld [smem:$0x3FAE]  }
0x2a: {  	p0 =	seq.s32 s5, $0x0;
	s5 =	sld [smem:$0x3FAF]  }
0x2b: {  	s6 =	sld [smem:$0x3FB0]  }
0x2c: {  	s7 =	sld [smem:$0x3FB1]  }
0x2d: {  	s3 =	simm.s32 $0x108;
	s8 =	sld [smem:$0x3FB2]  }
0x2e: {  	s3 =	simm.s32 @!p0 $0x1082;
	s9 =	sld [smem:$0x3FB3]  }
0x2f: {  	lr =	sadd.s32 s0, s3;
	s0 =	sld [smem:$0x3FAA]  }
0x30: {  	s3 =	sld [smem:$0x3FAD]  }
0x31: {  	[smem:$0x3FB6] =	sst s10  }
0x32: {  	s10 =	sld [smem:$0x3FB4];
	_ =	sdelay $0x3  }
0x33: {  	p0 =	seq.s32 s10, $0x1;
	s10 =	sld [smem:$0x3FB6];
	_ =	sdelay $0x3  }
0x34: {  	[smem:$0x3FB6] =	sst s10  }
0x35: {  	s10 =	sld [smem:$0x3FB5];
	_ =	sdelay $0x3  }
0x36: {  	p1 =	seq.s32 s10, $0x1;
	s10 =	sld [smem:$0x3FB6];
	_ =	sdelay $0x3  }
0x37: {  	[smem:$0x3FB6] =	sst s10  }
0x38: {  	s10 =	sld [smem:$0x3FB7]  }
0x39: {  	_ = 	snop;
	(pc) =	sbr.ind lr, $3  }
0x3a: {  	_ = 	snop  }
0x3b: {  	_ = 	snop  }
0x3c: {  	p2 =	seq.s32 s10, $0x1;
	s10 =	sld [smem:$0x3FB6]  }
0x3d: {  	_ =	shalt  }
0x3e: {  	_ =	shalt  }
0x3f: {  	_ =	shalt  }
0x40: {  	_ =	shalt  }
0x41: {  	_ =	shalt  }
0x42: {  	_ =	shalt  }
0x43: {  	_ =	shalt  }
0x44: {  	_ =	shalt  }
0x45: {  	_ =	shalt  }
0x46: {  	_ =	shalt  }
0x47: {  	_ =	shalt  }
0x48: {  	_ =	shalt  }
0x49: {  	_ =	shalt  }
0x4a: {  	_ =	shalt  }
0x4b: {  	_ =	shalt  }
0x4c: {  	_ =	shalt  }
0x4d: {  	_ =	shalt  }
0x4e: {  	_ =	shalt  }
0x4f: {  	_ =	shalt  }
0x50: {  	_ =	shalt  }
0x51: {  	_ =	shalt  }
0x52: {  	_ =	shalt  }
0x53: {  	_ =	shalt  }
0x54: {  	_ =	shalt  }
0x55: {  	_ =	shalt  }
0x56: {  	_ =	shalt  }
0x57: {  	_ =	shalt  }
0x58: {  	_ =	shalt  }
0x59: {  	_ =	shalt  }
0x5a: {  	_ =	shalt  }
0x5b: {  	_ =	shalt  }
0x5c: {  	_ =	shalt  }
0x5d: {  	_ =	shalt  }
0x5e: {  	_ =	shalt  }
0x5f: {  	_ =	shalt  }
0x60: {  	_ =	shalt  }
0x61: {  	_ =	shalt  }
0x62: {  	_ =	shalt  }
0x63: {  	_ =	shalt  }
0x64: {  	_ =	shalt  }
0x65: {  	_ =	shalt  }
0x66: {  	_ =	shalt  }
0x67: {  	_ =	shalt  }
0x68: {  	_ =	shalt  }
0x69: {  	_ =	shalt  }
0x6a: {  	_ =	shalt  }
0x6b: {  	_ =	shalt  }
0x6c: {  	_ =	shalt  }
0x6d: {  	_ =	shalt  }
0x6e: {  	_ =	shalt  }
0x6f: {  	_ =	shalt  }
0x70: {  	_ =	shalt  }
0x71: {  	_ =	shalt  }
0x72: {  	_ =	shalt  }
0x73: {  	_ =	shalt  }
0x74: {  	_ =	shalt  }
0x75: {  	_ =	shalt  }
0x76: {  	_ =	shalt  }
0x77: {  	_ =	shalt  }
0x78: {  	_ =	shalt  }
0x79: {  	_ =	shalt  }
0x7a: {  	_ =	shalt  }
0x7b: {  	_ =	shalt  }
0x7c: {  	_ =	shalt  }
0x7d: {  	_ =	shalt  }
0x7e: {  	_ =	shalt  }
0x7f: {  	_ =	shalt  }
0x80: {  	_ =	shalt  }
0x81: {  	_ =	shalt  }
0x82: {  	_ =	shalt  }
0x83: {  	_ =	shalt  }
0x84: {  	_ =	shalt  }
0x85: {  	_ =	shalt  }
0x86: {  	_ =	shalt  }
0x87: {  	_ =	shalt  }
.Lfunc_end0:
.L_simem_size_0:
called_computation.1_lowered:
.L_overlay_start_0:
0x88: {  	s2 =	sld [smem:$0x3FD9]  }
0x89: {  	s3 =	sld [smem:$0x3FFE];
	_ =	sdelay $0x1  }
0x8a: {  	s1 =	srdreg.scid  }
0x8b: {  	s0 =	sand.u32 $0x1, s1  }
0x8c: {  	s17 =	sshll.u32 s0, $0xA;
	s2 =	sadd.s32 s3, s2  }
0x8d: {  	s2 =	sadd.s32 s2, s17  }
0x8e: {  	[smem:$0x3FC2] =	sst s2  }
0x8f: {  	_ = 	snop  }
0x90: {  	s2 =	sld [smem:$0x3FD0];
	(tm) =	ssettm $0x1  }
0x91: {  	s18 =	sld [smem:$0x3FFB];
	_ =	sdelay $0x3  }
0x92: {  	_ =	strace s18  }
0x93: {  	s3 =	sld [smem:$0x3FFC];
	_ =	sdelay $0x3  }
0x94: {  	_ =	strace s3  }
0x95: {  	s3 =	sld [smem:$0x3FFD];
	_ =	sdelay $0x3  }
0x96: {  	_ =	strace s3  }
0x97: {  	_ =	strace $0x8FFFFFFF  }
0x98: {  	s19 =	sld [smem:$0x3FDB];
	_ =	sdelay $0x1  }
0x99: {  	s4 =	simm.s32 $_scs_section_size  }
0x9a: {  	s5 =	simm.s32 $_size__tile_overlayer_lowered;
	s6 =	simm.s32 $_tile_overlayer_lowered  }
0x9b: {  	s22 =	simm.s32 $0x1BFF;
	s21 =	sshll.u32 s6, $0x1;
	s3 =	sadd.s32 s4, s19  }
0x9c: {  	s7 =	simm.s32 $0x0;
	s20 =	sshll.u32 s5, $0x1;
	s5 =	sadd.s32 s21, s3  }
0x9d: {  	[timem:s7], [sflag:s22] =	dma.local [hbm:s5], s20  }
0x9e: {  	_ =	swait.ge [sflag:s22], s20  }
0x9f: {  	s4 =	ssub.s32 $0x0, s20;
	[sflag:s22] =	ssyncset.done $0x0  }
0xa0: {  	[sflag:s22] =	ssyncadd.s32 s4;
	_ =	sdelay $0x1  }
0xa1: {  	s23 =	simm.s32 $0x1B8B  }
0xa2: {  	_ =	swait.ge [sflag:s23], $0x1  }
0xa3: {  	[sflag:s23] =	ssyncset.done $0x0  }
0xa4: {  	s25 =	simm.s32 $0x1B8E;
	s24 =	sld [smem:$0x3FFE];
	[sflag:s23] =	ssyncadd.s32 $0xFFFFFFFF  }
0xa5: {  	s26 =	simm.s32 $execute0_lowered;
	[smem:$0x3FD2] =	sst s25  }
0xa6: {  	s5 =	sshll.u32 s26, $0x1;
	_ =	strace $0x80000049;
	[dreg:$0x1] =	wrdreg $0xFFFFFFFF  }
0xa7: {  	s28 =	simm.s32 $_size_execute0_lowered;
	s3 =	sadd.s32 s3, s5;
	[dreg:$0x0] =	wrdreg $0x0  }
0xa8: {  	s5 =	sshll.u32 s28, $0x1;
	[dreg:$0x2] =	wrdreg s3  }
0xa9: {  	[dreg:$0x3] =	wrdreg s5  }
0xaa: {  	[dreg:$0x4] =	wrdreg $0xC0  }
0xab: {  	_ =	task [dreg:s7], $0x5FFFF  }
0xac: {  	[dreg:$0x1] =	wrdreg $0xFFFFFFFF  }
0xad: {  	[dreg:$0x0] =	wrdreg $0x60  }
0xae: {  	[dreg:$0x2] =	wrdreg s24  }
0xaf: {  	[dreg:$0x3] =	wrdreg s2  }
0xb0: {  	[dreg:$0x4] =	wrdreg $0xA8000  }
0xb1: {  	[dreg:$0x5] =	wrdreg $0x9  }
0xb2: {  	_ =	task.clear_ibuf [dreg:s7], $0x6FFFF;
	_ =	strace $0x90000049  }
0xb3: {  	s29 =	simm.s32 $0x9;
	_ =	strace $0x8000004B  }
0xb4: {  	_ =	swait.ge [sflag:s29], $0x1  }
0xb5: {  	[sflag:s29] =	ssyncadd.s32 $0xFFFFFFFF  }
0xb6: {  	_ =	strace $0x9000004B  }
0xb7: {  	_ =	sfence  }
0xb8: {  	s30 =	sld [smem:$0x0];
	_ =	sdelay $0x2  }
0xb9: {  	s31 =	sshll.u32 s1, $0xD;
	s1 =	sshrl.u32 s1, $0x2  }
0xba: {  	s3 =	sand.u32 $0x4000, s31;
	s1 =	sadd.s32 s1, s30  }
0xbb: {  	s0 =	sor.u32 s3, s0;
	s1 =	sshll.u32 s1, $0x11  }
0xbc: {  	s0 =	sor.u32 s1, s0  }
0xbd: {  	s0 =	sadd.s32 $0x8F2B, s0  }
0xbe: {  	[sflag:s0] =	ssyncadd.remote.s32 $0x1  }
0xbf: {  	_ =	sfence.sel $0xFFFF  }
0xc0: {  	[dreg:$0x0] =	wrdreg $0xFFFFFFFF;
	(pc) =	sbr.abs _section_cstart, $3  }
0xc1: {  	[dreg:$0x1] =	wrdreg $0xFFFFFFFF  }
0xc2: {  	_ =	task.clear_ibuf [dreg:s7], $0x2FFFF;
	_ =	strace $0x9FFFFFFF  }
0xc3: {  	(tm) =	ssettm $0x7FFFFFFF  }
tec
execute0_lowered:
.L_overlay_start_1:
0x0: {  	(tag) =	ssettag $0x1  }
0x1: {  	s6 =	rddreg [dreg:$0x0]  }
0x2: {  	s7 =	rddreg [dreg:$0x1]  }
0x3: {  	s0 =	srdreg.scid;
	s2 =	rddreg [dreg:$0x2]  }
0x4: {  	s3 =	simm.s32 $0x0;
	s14 =	simm.s32 $0x6800;
	s17 =	simm.s32 $0x1  }
0x5: {  	s18 =	simm.s32 $0x2;
	s5 =	sand.u32 $0x1, s0;
	s0 =	stileid.u32  }
0x6: {  	s19 =	simm.s32 $0x2700;
	s20 =	simm.s32 $0x2780;
	s9 =	smul.u32 $0x2800, s0  }
0x7: {  	s21 =	simm.s32 $0x0;
	[smem:$0x7FF] =	sst s3;
	s10 =	smul.u32 $0x28000, s5  }
0x8: {  	s1 =	sshll.u32 s5, $0x4;
	s12 =	ssub.s32 $0x2, s5;
	s13 =	smul.u32 $0x50000, s0  }
0x9: {  	s5 =	sadd.s32 $0x58400, s6;
	s15 =	sshll.u32 s0, $0x6;
	s4 =	sor.u32 s0, s1  }
0xa: {  	s1 =	rddreg [dreg:$0x3];
	_ =	strace $0x8000004A;
	s30 =	sshrl.u32 s12, $0x1  }
0xb: {  	s15 =	sor.u32 $0x1C03, s15;
	s8 =	smul.u32 $0x280, s4;
	s4 =	sadd.s32 $0x30400, s6  }
0xc: {  	s9 =	sadd.s32 s9, s10;
	s10 =	ssub.s32 s12, s30;
	s31 =	sshrl.u32 s13, $0x2  }
0xd: {  	s12 =	simm.s32 $0x80;
	s13 =	simm.s32 $0x2800;
	s9 =	sadd.s32 s9, s6  }
0xe: {  	s16 =	sadd.s32 s31, s2;
	s11 =	sadd.s32 s8, s6;
	s6 =	sadd.s32 s7, s8  }
0xf: {  	s8 =	sadd.s32 $0x5AC00, s9;
	s9 =	smax.u32 s10, $0x1;
	s10 =	simm.s32 $0x3  }
0x10: {  	s16 =	sshrl.u32 s16, $0x3;
	s7 =	sadd.s32 $0x2200, s11;
	s11 =	simm.s32 $0x1400  }
.LBB2_1:
0x11: {  	[tilespmem:s3], [sflag:$0x3] =	stream.linear.gather [hbm4b:s6+s3], $0x1400, $0x38;
	[tilespmem:$0x1E800] =	vst v63  }
0x12: {  	_ =	swait.ge [sflag:s10], $0x1400  }
0x13: {  	[sflag:s10] =	ssyncset.done $0x0  }
0x14: {  	[sflag:s10] =	ssyncadd.s32 $0xFFFFEC00  }
0x15: {  	[tilespmem:s11], [sflag:$0x3] =	stream.linear.gather [hbm4b:s7+s3], $0x1400, $0x38;
	[tilespmem:$0x1E800] =	vst v63  }
0x16: {  	_ =	swait.ge [sflag:s10], $0x1400  }
0x17: {  	[sflag:s10] =	ssyncset.done $0x0  }
0x18: {  	[sflag:s10] =	ssyncadd.s32 $0xFFFFEC00  }
0x19: {  	[tilespmem:s13], [sflag:$0x1] =	stream.indirect.gather [hbm4b:s4+s12], $0x80, s3, s12, $0xb8;
	[tilespmem:$0x1E800] =	vst v63  }
0x1a: {  	_ = 	snop  }
0x1b: {  	[tilespmem:s14], [sflag:$0x2] =	stream.indirect.gather [hbm4b:s4+s12], $0x80, s12, s12, $0xb8;
	[tilespmem:$0x1E800] =	vst v63  }
0x1c: {  	[spmem:s16], [sflag:s15] =	dma.local [hbm:s5], $0x2800  }
0x1d: {  	_ =	swait.ge [sflag:s10], $0x2800  }
0x1e: {  	[sflag:s10] =	ssyncset.done $0x0  }
0x1f: {  	[sflag:s10] =	ssyncadd.s32 $0xFFFFD800  }
0x20: {  	[bflag:$0x0] =	sbarrier.arrive $0xFFFF  }
0x21: {  	_ =	swait.ge [sflag:s17], $0x4000  }
0x22: {  	[sflag:s17] =	ssyncset.done $0x0  }
0x23: {  	s22 =	simm.s32 $0x1400;
	[sflag:s17] =	ssyncadd.s32 $0xFFFFC000  }
0x24: {  	[spmem:s2] =	stream.indirect.scatter.add.f32 [tilespmem:s13], [sflag:$0x3], $0x80, s22, s12, $0xb8;
	[tilespmem:$0x1E800] =	vst v63  }
0x25: {  	_ =	swait.ge [sflag:s10], $0x4000  }
0x26: {  	[sflag:s10] =	ssyncset.done $0x0  }
0x27: {  	s30 =	simm.s32 $0x100;
	[sflag:s10] =	ssyncadd.s32 $0xFFFFC000  }
0x28: {  	[tilespmem:s13], [sflag:$0x1] =	stream.indirect.gather [hbm4b:s4+s12], $0x80, s30, s12, $0xb8;
	[tilespmem:$0x1E800] =	vst v63  }
0x29: {  	_ =	swait.ge [sflag:s18], $0x4000  }
0x2a: {  	[sflag:s18] =	ssyncset.done $0x0  }
0x2b: {  	s31 =	simm.s32 $0x1480;
	[sflag:s18] =	ssyncadd.s32 $0xFFFFC000  }
0x2c: {  	[spmem:s2] =	stream.indirect.scatter.add.f32 [tilespmem:s14], [sflag:$0x3], $0x80, s31, s12, $0xb8;
	[tilespmem:$0x1E800] =	vst v63  }
0x2d: {  	_ =	swait.ge [sflag:s10], $0x4000  }
0x2e: {  	[sflag:s10] =	ssyncset.done $0x0  }
0x2f: {  	s23 =	simm.s32 $0x180;
	s22 =	simm.s32 $0x400;
	[sflag:s10] =	ssyncadd.s32 $0xFFFFC000  }
.LBB2_2:
0x30: {  	[tilespmem:s14], [sflag:$0x2] =	stream.indirect.gather [hbm4b:s4+s12], $0x80, s23, s12, $0xb8;
	[tilespmem:$0x1E800] =	vst v63  }
0x31: {  	s23 =	smov.u32 s22  }
0x32: {  	p0 =	sne.s32 s22, $0x4800;
	s22 =	sadd.s32 $0x400, s22;
	_ =	swait.ge [sflag:s17], $0x4000  }
0x33: {  	s23 =	sshra.s32 s23, $0x2;
	[sflag:s17] =	ssyncset.done $0x0  }
0x34: {  	s24 =	sadd.s32 $0x1400, s23;
	[sflag:s17] =	ssyncadd.s32 $0xFFFFC000  }
0x35: {  	[spmem:s2] =	stream.indirect.scatter.add.f32 [tilespmem:s13], [sflag:$0x3], $0x80, s24, s12, $0xb8;
	[tilespmem:$0x1E800] =	vst v63  }
0x36: {  	_ =	swait.ge [sflag:s10], $0x4000  }
0x37: {  	[sflag:s10] =	ssyncset.done $0x0  }
0x38: {  	s24 =	sadd.s32 $0x100, s23;
	[sflag:s10] =	ssyncadd.s32 $0xFFFFC000  }
0x39: {  	[tilespmem:s13], [sflag:$0x1] =	stream.indirect.gather [hbm4b:s4+s12], $0x80, s24, s12, $0xb8;
	[tilespmem:$0x1E800] =	vst v63  }
0x3a: {  	_ =	swait.ge [sflag:s18], $0x4000  }
0x3b: {  	[sflag:s18] =	ssyncset.done $0x0  }
.Ltmp0:
0x3c: {  	s24 =	sadd.s32 $0x1480, s23;
	[sflag:s18] =	ssyncadd.s32 $0xFFFFC000;
	(pc) =	sbr.rel @p0 .LBB2_2-.Ltmp0, $4  }
0x3d: {  	[spmem:s2] =	stream.indirect.scatter.add.f32 [tilespmem:s14], [sflag:$0x3], $0x80, s24, s12, $0xb8;
	[tilespmem:$0x1E800] =	vst v63  }
0x3e: {  	_ =	swait.ge [sflag:s10], $0x4000  }
0x3f: {  	[sflag:s10] =	ssyncset.done $0x0  }
0x40: {  	s23 =	sadd.s32 $0x180, s23;
	[sflag:s10] =	ssyncadd.s32 $0xFFFFC000  }
0x41: {  	[tilespmem:s14], [sflag:$0x2] =	stream.indirect.gather [hbm4b:s4+s12], $0x80, s23, s12, $0xb8;
	[tilespmem:$0x1E800] =	vst v63  }
0x42: {  	_ =	swait.ge [sflag:s17], $0x4000  }
0x43: {  	[sflag:s17] =	ssyncset.done $0x0  }
0x44: {  	[sflag:s17] =	ssyncadd.s32 $0xFFFFC000  }
0x45: {  	[spmem:s2] =	stream.indirect.scatter.add.f32 [tilespmem:s13], [sflag:$0x3], $0x80, s19, s12, $0xb8;
	[tilespmem:$0x1E800] =	vst v63  }
0x46: {  	_ =	swait.ge [sflag:s10], $0x4000  }
0x47: {  	[sflag:s10] =	ssyncset.done $0x0  }
0x48: {  	[sflag:s10] =	ssyncadd.s32 $0xFFFFC000  }
0x49: {  	_ =	swait.ge [sflag:s18], $0x4000  }
0x4a: {  	[sflag:s18] =	ssyncset.done $0x0  }
0x4b: {  	[sflag:s18] =	ssyncadd.s32 $0xFFFFC000  }
0x4c: {  	[spmem:s2] =	stream.indirect.scatter.add.f32 [tilespmem:s14], [sflag:$0x3], $0x80, s20, s12, $0xb8;
	[tilespmem:$0x1E800] =	vst v63  }
0x4d: {  	_ =	swait.ge [sflag:s10], $0x4000  }
0x4e: {  	s21 =	sadd.s32 $0x1, s21;
	[sflag:s10] =	ssyncset.done $0x0  }
0x4f: {  	p0 =	sne.s32 s21, s9;
	[sflag:s10] =	ssyncadd.s32 $0xFFFFC000  }
.Ltmp1:
0x50: {  	[bflag:$0x0] =	sbarrier.arrive $0xFFFF;
	(pc) =	sbr.rel @p0 .LBB2_1-.Ltmp1, $4  }
0x51: {  	[hbm:s8], [sflag:s15] =	dma.local [spmem:s16], $0x2800  }
0x52: {  	_ =	swait.ge [sflag:s10], $0x2800  }
0x53: {  	[sflag:s10] =	ssyncset.done $0x0  }
0x54: {  	[sflag:s10] =	ssyncadd.s32 $0xFFFFD800  }
0x55: {  	_ =	sfence.sel $0x180000  }
0x56: {  	[bflag:$0x0] =	sbarrier.arrive $0xFFFF  }
0x57: {  	p0 =	sne.s32 s0, $0x0;
	_ =	strace $0x9000004A  }
0x58: {  	s0 =	sadd.s32 @!p0 $0x100000, s1;
	[bflag:$0x2] =	sbarrier.arrive $0xFFFF  }
0x59: {  	[sflag:s0] =	ssyncadd.tile.s32 @!p0 $0x1;
	_ =	shalt  }
.Lfunc_end2:
_tile_overlayer_lowered:
.L_overlay_start_2:
0x5a: {  	(tag) =	ssettag $0x2  }
0x5b: {  	s0 =	rddreg [dreg:$0x0];
	s2 =	stileid.u32  }
0x5c: {  	s1 =	rddreg [dreg:$0x1];
	p0 =	sne.s32 s2, $0x0  }
0x5d: {  	s3 =	rddreg [dreg:$0x2];
	[bflag:$0x3] =	sbarrier.arrive $0xFFFF;
	s2 =	simm.s32 @!p0 $0x1C03  }
0x5e: {  	[timem:s3], [sflag:s2] =	dma.local @!p0 [hbm:s0], s1  }
0x5f: {  	s0 =	simm.s32 @!p0 $0x3  }
0x60: {  	_ =	swait.ge @!p0 [sflag:s0], s1  }
0x61: {  	s1 =	ssub.s32 @!p0 $0x0, s1;
	[sflag:s0] =	ssyncset.done @!p0 $0x0  }
0x62: {  	[sflag:s0] =	ssyncadd.s32 @!p0 s1  }
0x63: {  	[bflag:$0x3] =	sbarrier.arrive $0xFFFF  }
0x64: {  	_ =	shalt  }

// kernel: kernel.14.cloned.1.call-start
scs
__scs_entry_jumppad:
0x0: {  	(pc) =	sbr.rel $0x88, $3  }
0x1: {  	(tag) =	ssettag $0x0;
	lr =	simm.s32 $0x1  }
0x2: {  	[smem:$0x3F9B] =	sst lr;
	_ =	strace $0xD0000000  }
0x3: {  	_ = 	snop  }
0x4: {  	_ = 	snop  }
0x5: {  	_ = 	snop  }
0x6: {  	_ = 	snop  }
0x7: {  	_ = 	snop  }
__scs_overlays_trampoline_lowered:
0x8: {  	[smem:$0x3FAA] =	sst s0  }
0x9: {  	[smem:$0x3FAB] =	sst s1  }
0xa: {  	[smem:$0x3FAC] =	sst s2  }
0xb: {  	[smem:$0x3FAD] =	sst s3  }
0xc: {  	[smem:$0x3FAE] =	sst s4  }
0xd: {  	[smem:$0x3FAF] =	sst s5  }
0xe: {  	[smem:$0x3FB0] =	sst s6  }
0xf: {  	[smem:$0x3FB1] =	sst s7  }
0x10: {  	[smem:$0x3FB2] =	sst s8  }
0x11: {  	[smem:$0x3FB3] =	sst s9;
	s0 =	simm.s32 @!p0 $0x0  }
0x12: {  	s1 =	sld [smem:$0x3F99];
	s0 =	simm.s32 @p0 $0x1  }
0x13: {  	[smem:$0x3FB4] =	sst s0;
	s0 =	simm.s32 @!p1 $0x0  }
0x14: {  	s2 =	sld [smem:$0x3F98];
	s0 =	simm.s32 @p1 $0x1  }
0x15: {  	[smem:$0x3FB5] =	sst s0;
	s0 =	simm.s32 @!p2 $0x0  }
0x16: {  	s3 =	sld [smem:$0x3FDB];
	s0 =	simm.s32 @p2 $0x1  }
0x17: {  	s4 =	simm.s32 $0x1BF5;
	[smem:$0x3FB7] =	sst s0  }
0x18: {  	s0 =	sld [smem:$0x3F9A];
	_ =	swait.ge [sflag:s4], $0x0  }
0x19: {  	s7 =	sld [smem:$0x3F9B]  }
0x1a: {  	s8 =	sadd.s32 $0xFFFFE003, lr  }
0x1b: {  	s9 =	sadd.s32 $0xFFFFFEF7, lr;
	s5 =	simm.s32 $0xFFFFFFFF;
	p2 =	slt.u32 s8, $0xFFFFF086  }
0x1c: {  	p1 =	slt.u32 s9, $0xF7A;
	s5 =	simm.s32 @!p2 $0x0  }
0x1d: {  	s5 =	simm.s32 @p1 $0x1;
	p0 =	seq.s32 s7, s2  }
0x1e: {  	s7 =	smul.u32 @!p0 $0xF7A, s2;
	p2 =	seq.s32 @!p0 s5, $0x0  }
0x1f: {  	s9 =	smul.u32 $0xF7A, s1;
	s8 =	simm.s32 @!p0 $0x1BF5;
	p2 =	por !p2, p0  }
0x20: {  	[sflag:s8] =	ssyncset.s32 @!p0 $0xFFFFF086;
	s6 =	sadd.s32 @!p0 s3, s7;
	s7 =	simm.s32 @!p0 $0x108  }
0x21: {  	s3 =	sadd.s32 s3, s9;
	s6 =	sadd.s32 @!p0 $0x88, s6;
	s7 =	simm.s32 @p2 $0x1082  }
0x22: {  	[simem:s7], [sflag:s8] =	dma.local @!p0 [hbm:s6], $0xF7A  }
0x23: {  	s9 =	sor.u32 $0xD0000000, s2;
	s6 =	simm.s32 $0x108;
	_ =	swait.ge @!p0 [sflag:s8], $0x0  }
0x24: {  	s3 =	sadd.s32 $0x88, s3;
	s6 =	simm.s32 @!p1 $0x1082;
	[sflag:s4] =	ssyncset.s32 $0xFFFFF086  }
0x25: {  	[simem:s6], [sflag:s4] =	dma.local [hbm:s3], $0xF7A  }
0x26: {  	[smem:$0x3F9B] =	sst s1;
	(tag) =	ssettag s2;
	_ =	strace s9  }
0x27: {  	s1 =	sld [smem:$0x3FAB]  }
0x28: {  	s2 =	sld [smem:$0x3FAC]  }
0x29: {  	s4 =	sld [smem:$0x3FAE]  }
0x2a: {  	p0 =	seq.s32 s5, $0x0;
	s5 =	sld [smem:$0x3FAF]  }
0x2b: {  	s6 =	sld [smem:$0x3FB0]  }
0x2c: {  	s7 =	sld [smem:$0x3FB1]  }
0x2d: {  	s3 =	simm.s32 $0x108;
	s8 =	sld [smem:$0x3FB2]  }
0x2e: {  	s3 =	simm.s32 @!p0 $0x1082;
	s9 =	sld [smem:$0x3FB3]  }
0x2f: {  	lr =	sadd.s32 s0, s3;
	s0 =	sld [smem:$0x3FAA]  }
0x30: {  	s3 =	sld [smem:$0x3FAD]  }
0x31: {  	[smem:$0x3FB6] =	sst s10  }
0x32: {  	s10 =	sld [smem:$0x3FB4];
	_ =	sdelay $0x3  }
0x33: {  	p0 =	seq.s32 s10, $0x1;
	s10 =	sld [smem:$0x3FB6];
	_ =	sdelay $0x3  }
0x34: {  	[smem:$0x3FB6] =	sst s10  }
0x35: {  	s10 =	sld [smem:$0x3FB5];
	_ =	sdelay $0x3  }
0x36: {  	p1 =	seq.s32 s10, $0x1;
	s10 =	sld [smem:$0x3FB6];
	_ =	sdelay $0x3  }
0x37: {  	[smem:$0x3FB6] =	sst s10  }
0x38: {  	s10 =	sld [smem:$0x3FB7]  }
0x39: {  	_ = 	snop;
	(pc) =	sbr.ind lr, $3  }
0x3a: {  	_ = 	snop  }
0x3b: {  	_ = 	snop  }
0x3c: {  	p2 =	seq.s32 s10, $0x1;
	s10 =	sld [smem:$0x3FB6]  }
0x3d: {  	_ =	shalt  }
0x3e: {  	_ =	shalt  }
0x3f: {  	_ =	shalt  }
0x40: {  	_ =	shalt  }
0x41: {  	_ =	shalt  }
0x42: {  	_ =	shalt  }
0x43: {  	_ =	shalt  }
0x44: {  	_ =	shalt  }
0x45: {  	_ =	shalt  }
0x46: {  	_ =	shalt  }
0x47: {  	_ =	shalt  }
0x48: {  	_ =	shalt  }
0x49: {  	_ =	shalt  }
0x4a: {  	_ =	shalt  }
0x4b: {  	_ =	shalt  }
0x4c: {  	_ =	shalt  }
0x4d: {  	_ =	shalt  }
0x4e: {  	_ =	shalt  }
0x4f: {  	_ =	shalt  }
0x50: {  	_ =	shalt  }
0x51: {  	_ =	shalt  }
0x52: {  	_ =	shalt  }
0x53: {  	_ =	shalt  }
0x54: {  	_ =	shalt  }
0x55: {  	_ =	shalt  }
0x56: {  	_ =	shalt  }
0x57: {  	_ =	shalt  }
0x58: {  	_ =	shalt  }
0x59: {  	_ =	shalt  }
0x5a: {  	_ =	shalt  }
0x5b: {  	_ =	shalt  }
0x5c: {  	_ =	shalt  }
0x5d: {  	_ =	shalt  }
0x5e: {  	_ =	shalt  }
0x5f: {  	_ =	shalt  }
0x60: {  	_ =	shalt  }
0x61: {  	_ =	shalt  }
0x62: {  	_ =	shalt  }
0x63: {  	_ =	shalt  }
0x64: {  	_ =	shalt  }
0x65: {  	_ =	shalt  }
0x66: {  	_ =	shalt  }
0x67: {  	_ =	shalt  }
0x68: {  	_ =	shalt  }
0x69: {  	_ =	shalt  }
0x6a: {  	_ =	shalt  }
0x6b: {  	_ =	shalt  }
0x6c: {  	_ =	shalt  }
0x6d: {  	_ =	shalt  }
0x6e: {  	_ =	shalt  }
0x6f: {  	_ =	shalt  }
0x70: {  	_ =	shalt  }
0x71: {  	_ =	shalt  }
0x72: {  	_ =	shalt  }
0x73: {  	_ =	shalt  }
0x74: {  	_ =	shalt  }
0x75: {  	_ =	shalt  }
0x76: {  	_ =	shalt  }
0x77: {  	_ =	shalt  }
0x78: {  	_ =	shalt  }
0x79: {  	_ =	shalt  }
0x7a: {  	_ =	shalt  }
0x7b: {  	_ =	shalt  }
0x7c: {  	_ =	shalt  }
0x7d: {  	_ =	shalt  }
0x7e: {  	_ =	shalt  }
0x7f: {  	_ =	shalt  }
0x80: {  	_ =	shalt  }
0x81: {  	_ =	shalt  }
0x82: {  	_ =	shalt  }
0x83: {  	_ =	shalt  }
0x84: {  	_ =	shalt  }
0x85: {  	_ =	shalt  }
0x86: {  	_ =	shalt  }
0x87: {  	_ =	shalt  }
.Lfunc_end0:
.L_simem_size_0:
called_computation.2_lowered:
.L_overlay_start_0:
0x88: {  	s2 =	sld [smem:$0x3FD9]  }
0x89: {  	s3 =	sld [smem:$0x3FFE];
	_ =	sdelay $0x1  }
0x8a: {  	s1 =	srdreg.scid  }
0x8b: {  	s0 =	sand.u32 $0x1, s1  }
0x8c: {  	s17 =	sshll.u32 s0, $0xA;
	s2 =	sadd.s32 s3, s2  }
0x8d: {  	s2 =	sadd.s32 s2, s17  }
0x8e: {  	[smem:$0x3FC2] =	sst s2  }
0x8f: {  	_ = 	snop  }
0x90: {  	s2 =	sld [smem:$0x3FD0];
	(tm) =	ssettm $0x1  }
0x91: {  	s18 =	sld [smem:$0x3FFB];
	_ =	sdelay $0x3  }
0x92: {  	_ =	strace s18  }
0x93: {  	s3 =	sld [smem:$0x3FFC];
	_ =	sdelay $0x3  }
0x94: {  	_ =	strace s3  }
0x95: {  	s3 =	sld [smem:$0x3FFD];
	_ =	sdelay $0x3  }
0x96: {  	_ =	strace s3  }
0x97: {  	_ =	strace $0x8FFFFFFF  }
0x98: {  	s19 =	sld [smem:$0x3FDB];
	_ =	sdelay $0x1  }
0x99: {  	s4 =	simm.s32 $_scs_section_size  }
0x9a: {  	s5 =	simm.s32 $_size__tile_overlayer_lowered;
	s6 =	simm.s32 $_tile_overlayer_lowered  }
0x9b: {  	s22 =	simm.s32 $0x1BFF;
	s21 =	sshll.u32 s6, $0x1;
	s3 =	sadd.s32 s4, s19  }
0x9c: {  	s7 =	simm.s32 $0x0;
	s20 =	sshll.u32 s5, $0x1;
	s5 =	sadd.s32 s21, s3  }
0x9d: {  	[timem:s7], [sflag:s22] =	dma.local [hbm:s5], s20  }
0x9e: {  	_ =	swait.ge [sflag:s22], s20  }
0x9f: {  	s4 =	ssub.s32 $0x0, s20;
	[sflag:s22] =	ssyncset.done $0x0  }
0xa0: {  	[sflag:s22] =	ssyncadd.s32 s4;
	_ =	sdelay $0x1  }
0xa1: {  	s23 =	simm.s32 $0x1B8B  }
0xa2: {  	_ =	swait.ge [sflag:s23], $0x1  }
0xa3: {  	[sflag:s23] =	ssyncset.done $0x0  }
0xa4: {  	s25 =	simm.s32 $0x1B8E;
	s24 =	sld [smem:$0x3FFE];
	[sflag:s23] =	ssyncadd.s32 $0xFFFFFFFF  }
0xa5: {  	s26 =	simm.s32 $execute0_lowered;
	[smem:$0x3FD2] =	sst s25  }
0xa6: {  	s5 =	sshll.u32 s26, $0x1;
	_ =	strace $0x8000004C;
	[dreg:$0x1] =	wrdreg $0xFFFFFFFF  }
0xa7: {  	s28 =	simm.s32 $_size_execute0_lowered;
	s3 =	sadd.s32 s3, s5;
	[dreg:$0x0] =	wrdreg $0x0  }
0xa8: {  	s5 =	sshll.u32 s28, $0x1;
	[dreg:$0x2] =	wrdreg s3  }
0xa9: {  	[dreg:$0x3] =	wrdreg s5  }
0xaa: {  	[dreg:$0x4] =	wrdreg $0xC0  }
0xab: {  	_ =	task [dreg:s7], $0x5FFFF  }
0xac: {  	[dreg:$0x1] =	wrdreg $0xFFFFFFFF  }
0xad: {  	[dreg:$0x0] =	wrdreg $0x60  }
0xae: {  	[dreg:$0x2] =	wrdreg s24  }
0xaf: {  	[dreg:$0x3] =	wrdreg s2  }
0xb0: {  	[dreg:$0x4] =	wrdreg $0xA8000  }
0xb1: {  	[dreg:$0x5] =	wrdreg $0x9  }
0xb2: {  	_ =	task.clear_ibuf [dreg:s7], $0x6FFFF;
	_ =	strace $0x9000004C  }
0xb3: {  	s29 =	simm.s32 $0x9;
	_ =	strace $0x8000004E  }
0xb4: {  	_ =	swait.ge [sflag:s29], $0x1  }
0xb5: {  	[sflag:s29] =	ssyncadd.s32 $0xFFFFFFFF  }
0xb6: {  	_ =	strace $0x9000004E  }
0xb7: {  	_ =	sfence  }
0xb8: {  	s30 =	sld [smem:$0x0];
	_ =	sdelay $0x2  }
0xb9: {  	s31 =	sshll.u32 s1, $0xD;
	s1 =	sshrl.u32 s1, $0x2  }
0xba: {  	s3 =	sand.u32 $0x4000, s31;
	s1 =	sadd.s32 s1, s30  }
0xbb: {  	s0 =	sor.u32 s3, s0;
	s1 =	sshll.u32 s1, $0x11  }
0xbc: {  	s0 =	sor.u32 s1, s0  }
0xbd: {  	s0 =	sadd.s32 $0x8F2B, s0  }
0xbe: {  	[sflag:s0] =	ssyncadd.remote.s32 $0x1  }
0xbf: {  	_ =	sfence.sel $0xFFFF  }
0xc0: {  	[dreg:$0x0] =	wrdreg $0xFFFFFFFF;
	(pc) =	sbr.abs _section_cstart, $3  }
0xc1: {  	[dreg:$0x1] =	wrdreg $0xFFFFFFFF  }
0xc2: {  	_ =	task.clear_ibuf [dreg:s7], $0x2FFFF;
	_ =	strace $0x9FFFFFFF  }
0xc3: {  	(tm) =	ssettm $0x7FFFFFFF  }
tec
execute0_lowered:
.L_overlay_start_1:
0x0: {  	(tag) =	ssettag $0x1  }
0x1: {  	s6 =	rddreg [dreg:$0x0]  }
0x2: {  	s7 =	rddreg [dreg:$0x1]  }
0x3: {  	s0 =	srdreg.scid;
	s2 =	rddreg [dreg:$0x2]  }
0x4: {  	s3 =	simm.s32 $0x0;
	s14 =	simm.s32 $0x6800;
	s17 =	simm.s32 $0x1  }
0x5: {  	s18 =	simm.s32 $0x2;
	s5 =	sand.u32 $0x1, s0;
	s0 =	stileid.u32  }
0x6: {  	s19 =	simm.s32 $0x2700;
	s20 =	simm.s32 $0x2780;
	s9 =	smul.u32 $0x2800, s0  }
0x7: {  	s21 =	simm.s32 $0x0;
	[smem:$0x7FF] =	sst s3;
	s10 =	smul.u32 $0x28000, s5  }
0x8: {  	s1 =	sshll.u32 s5, $0x4;
	s12 =	ssub.s32 $0x2, s5;
	s13 =	smul.u32 $0x50000, s0  }
0x9: {  	s5 =	sadd.s32 $0x58400, s6;
	s15 =	sshll.u32 s0, $0x6;
	s4 =	sor.u32 s0, s1  }
0xa: {  	s1 =	rddreg [dreg:$0x3];
	_ =	strace $0x8000004D;
	s30 =	sshrl.u32 s12, $0x1  }
0xb: {  	s15 =	sor.u32 $0x1C03, s15;
	s8 =	smul.u32 $0x280, s4;
	s4 =	sadd.s32 $0x7200, s6  }
0xc: {  	s9 =	sadd.s32 s9, s10;
	s10 =	ssub.s32 s12, s30;
	s31 =	sshrl.u32 s13, $0x2  }
0xd: {  	s12 =	simm.s32 $0x80;
	s13 =	simm.s32 $0x2800;
	s9 =	sadd.s32 s9, s6  }
0xe: {  	s16 =	sadd.s32 s31, s2;
	s11 =	sadd.s32 s8, s6;
	s6 =	sadd.s32 s7, s8  }
0xf: {  	s8 =	sadd.s32 $0x5AC00, s9;
	s9 =	smax.u32 s10, $0x1;
	s10 =	simm.s32 $0x3  }
0x10: {  	s16 =	sshrl.u32 s16, $0x3;
	s7 =	sadd.s32 $0x2200, s11;
	s11 =	simm.s32 $0x1400  }
.LBB2_1:
0x11: {  	[tilespmem:s3], [sflag:$0x3] =	stream.linear.gather [hbm4b:s6+s3], $0x1400, $0x38;
	[tilespmem:$0x1E800] =	vst v63  }
0x12: {  	_ =	swait.ge [sflag:s10], $0x1400  }
0x13: {  	[sflag:s10] =	ssyncset.done $0x0  }
0x14: {  	[sflag:s10] =	ssyncadd.s32 $0xFFFFEC00  }
0x15: {  	[tilespmem:s11], [sflag:$0x3] =	stream.linear.gather [hbm4b:s7+s3], $0x1400, $0x38;
	[tilespmem:$0x1E800] =	vst v63  }
0x16: {  	_ =	swait.ge [sflag:s10], $0x1400  }
0x17: {  	[sflag:s10] =	ssyncset.done $0x0  }
0x18: {  	[sflag:s10] =	ssyncadd.s32 $0xFFFFEC00  }
0x19: {  	[tilespmem:s13], [sflag:$0x1] =	stream.indirect.gather [hbm4b:s4+s12], $0x80, s3, s12, $0xb8;
	[tilespmem:$0x1E800] =	vst v63  }
0x1a: {  	_ = 	snop  }
0x1b: {  	[tilespmem:s14], [sflag:$0x2] =	stream.indirect.gather [hbm4b:s4+s12], $0x80, s12, s12, $0xb8;
	[tilespmem:$0x1E800] =	vst v63  }
0x1c: {  	[spmem:s16], [sflag:s15] =	dma.local [hbm:s5], $0x2800  }
0x1d: {  	_ =	swait.ge [sflag:s10], $0x2800  }
0x1e: {  	[sflag:s10] =	ssyncset.done $0x0  }
0x1f: {  	[sflag:s10] =	ssyncadd.s32 $0xFFFFD800  }
0x20: {  	[bflag:$0x0] =	sbarrier.arrive $0xFFFF  }
0x21: {  	_ =	swait.ge [sflag:s17], $0x4000  }
0x22: {  	[sflag:s17] =	ssyncset.done $0x0  }
0x23: {  	s22 =	simm.s32 $0x1400;
	[sflag:s17] =	ssyncadd.s32 $0xFFFFC000  }
0x24: {  	[spmem:s2] =	stream.indirect.scatter.add.f32 [tilespmem:s13], [sflag:$0x3], $0x80, s22, s12, $0xb8;
	[tilespmem:$0x1E800] =	vst v63  }
0x25: {  	_ =	swait.ge [sflag:s10], $0x4000  }
0x26: {  	[sflag:s10] =	ssyncset.done $0x0  }
0x27: {  	s30 =	simm.s32 $0x100;
	[sflag:s10] =	ssyncadd.s32 $0xFFFFC000  }
0x28: {  	[tilespmem:s13], [sflag:$0x1] =	stream.indirect.gather [hbm4b:s4+s12], $0x80, s30, s12, $0xb8;
	[tilespmem:$0x1E800] =	vst v63  }
0x29: {  	_ =	swait.ge [sflag:s18], $0x4000  }
0x2a: {  	[sflag:s18] =	ssyncset.done $0x0  }
0x2b: {  	s31 =	simm.s32 $0x1480;
	[sflag:s18] =	ssyncadd.s32 $0xFFFFC000  }
0x2c: {  	[spmem:s2] =	stream.indirect.scatter.add.f32 [tilespmem:s14], [sflag:$0x3], $0x80, s31, s12, $0xb8;
	[tilespmem:$0x1E800] =	vst v63  }
0x2d: {  	_ =	swait.ge [sflag:s10], $0x4000  }
0x2e: {  	[sflag:s10] =	ssyncset.done $0x0  }
0x2f: {  	s23 =	simm.s32 $0x180;
	s22 =	simm.s32 $0x400;
	[sflag:s10] =	ssyncadd.s32 $0xFFFFC000  }
.LBB2_2:
0x30: {  	[tilespmem:s14], [sflag:$0x2] =	stream.indirect.gather [hbm4b:s4+s12], $0x80, s23, s12, $0xb8;
	[tilespmem:$0x1E800] =	vst v63  }
0x31: {  	s23 =	smov.u32 s22  }
0x32: {  	p0 =	sne.s32 s22, $0x4800;
	s22 =	sadd.s32 $0x400, s22;
	_ =	swait.ge [sflag:s17], $0x4000  }
0x33: {  	s23 =	sshra.s32 s23, $0x2;
	[sflag:s17] =	ssyncset.done $0x0  }
0x34: {  	s24 =	sadd.s32 $0x1400, s23;
	[sflag:s17] =	ssyncadd.s32 $0xFFFFC000  }
0x35: {  	[spmem:s2] =	stream.indirect.scatter.add.f32 [tilespmem:s13], [sflag:$0x3], $0x80, s24, s12, $0xb8;
	[tilespmem:$0x1E800] =	vst v63  }
0x36: {  	_ =	swait.ge [sflag:s10], $0x4000  }
0x37: {  	[sflag:s10] =	ssyncset.done $0x0  }
0x38: {  	s24 =	sadd.s32 $0x100, s23;
	[sflag:s10] =	ssyncadd.s32 $0xFFFFC000  }
0x39: {  	[tilespmem:s13], [sflag:$0x1] =	stream.indirect.gather [hbm4b:s4+s12], $0x80, s24, s12, $0xb8;
	[tilespmem:$0x1E800] =	vst v63  }
0x3a: {  	_ =	swait.ge [sflag:s18], $0x4000  }
0x3b: {  	[sflag:s18] =	ssyncset.done $0x0  }
.Ltmp0:
0x3c: {  	s24 =	sadd.s32 $0x1480, s23;
	[sflag:s18] =	ssyncadd.s32 $0xFFFFC000;
	(pc) =	sbr.rel @p0 .LBB2_2-.Ltmp0, $4  }
0x3d: {  	[spmem:s2] =	stream.indirect.scatter.add.f32 [tilespmem:s14], [sflag:$0x3], $0x80, s24, s12, $0xb8;
	[tilespmem:$0x1E800] =	vst v63  }
0x3e: {  	_ =	swait.ge [sflag:s10], $0x4000  }
0x3f: {  	[sflag:s10] =	ssyncset.done $0x0  }
0x40: {  	s23 =	sadd.s32 $0x180, s23;
	[sflag:s10] =	ssyncadd.s32 $0xFFFFC000  }
0x41: {  	[tilespmem:s14], [sflag:$0x2] =	stream.indirect.gather [hbm4b:s4+s12], $0x80, s23, s12, $0xb8;
	[tilespmem:$0x1E800] =	vst v63  }
0x42: {  	_ =	swait.ge [sflag:s17], $0x4000  }
0x43: {  	[sflag:s17] =	ssyncset.done $0x0  }
0x44: {  	[sflag:s17] =	ssyncadd.s32 $0xFFFFC000  }
0x45: {  	[spmem:s2] =	stream.indirect.scatter.add.f32 [tilespmem:s13], [sflag:$0x3], $0x80, s19, s12, $0xb8;
	[tilespmem:$0x1E800] =	vst v63  }
0x46: {  	_ =	swait.ge [sflag:s10], $0x4000  }
0x47: {  	[sflag:s10] =	ssyncset.done $0x0  }
0x48: {  	[sflag:s10] =	ssyncadd.s32 $0xFFFFC000  }
0x49: {  	_ =	swait.ge [sflag:s18], $0x4000  }
0x4a: {  	[sflag:s18] =	ssyncset.done $0x0  }
0x4b: {  	[sflag:s18] =	ssyncadd.s32 $0xFFFFC000  }
0x4c: {  	[spmem:s2] =	stream.indirect.scatter.add.f32 [tilespmem:s14], [sflag:$0x3], $0x80, s20, s12, $0xb8;
	[tilespmem:$0x1E800] =	vst v63  }
0x4d: {  	_ =	swait.ge [sflag:s10], $0x4000  }
0x4e: {  	s21 =	sadd.s32 $0x1, s21;
	[sflag:s10] =	ssyncset.done $0x0  }
0x4f: {  	p0 =	sne.s32 s21, s9;
	[sflag:s10] =	ssyncadd.s32 $0xFFFFC000  }
.Ltmp1:
0x50: {  	[bflag:$0x0] =	sbarrier.arrive $0xFFFF;
	(pc) =	sbr.rel @p0 .LBB2_1-.Ltmp1, $4  }
0x51: {  	[hbm:s8], [sflag:s15] =	dma.local [spmem:s16], $0x2800  }
0x52: {  	_ =	swait.ge [sflag:s10], $0x2800  }
0x53: {  	[sflag:s10] =	ssyncset.done $0x0  }
0x54: {  	[sflag:s10] =	ssyncadd.s32 $0xFFFFD800  }
0x55: {  	_ =	sfence.sel $0x180000  }
0x56: {  	[bflag:$0x0] =	sbarrier.arrive $0xFFFF  }
0x57: {  	p0 =	sne.s32 s0, $0x0;
	_ =	strace $0x9000004D  }
0x58: {  	s0 =	sadd.s32 @!p0 $0x100000, s1;
	[bflag:$0x2] =	sbarrier.arrive $0xFFFF  }
0x59: {  	[sflag:s0] =	ssyncadd.tile.s32 @!p0 $0x1;
	_ =	shalt  }
.Lfunc_end2:
_tile_overlayer_lowered:
.L_overlay_start_2:
0x5a: {  	(tag) =	ssettag $0x2  }
0x5b: {  	s0 =	rddreg [dreg:$0x0];
	s2 =	stileid.u32  }
0x5c: {  	s1 =	rddreg [dreg:$0x1];
	p0 =	sne.s32 s2, $0x0  }
0x5d: {  	s3 =	rddreg [dreg:$0x2];
	[bflag:$0x3] =	sbarrier.arrive $0xFFFF;
	s2 =	simm.s32 @!p0 $0x1C03  }
0x5e: {  	[timem:s3], [sflag:s2] =	dma.local @!p0 [hbm:s0], s1  }
0x5f: {  	s0 =	simm.s32 @!p0 $0x3  }
0x60: {  	_ =	swait.ge @!p0 [sflag:s0], s1  }
0x61: {  	s1 =	ssub.s32 @!p0 $0x0, s1;
	[sflag:s0] =	ssyncset.done @!p0 $0x0  }
0x62: {  	[sflag:s0] =	ssyncadd.s32 @!p0 s1  }
0x63: {  	[bflag:$0x3] =	sbarrier.arrive $0xFFFF  }
0x64: {  	_ =	shalt  }

// kernel: kernel.8.cloned.1.call-start
scs
__scs_entry_jumppad:
0x0: {  	(pc) =	sbr.rel $0x88, $3  }
0x1: {  	(tag) =	ssettag $0x0;
	lr =	simm.s32 $0x1  }
0x2: {  	[smem:$0x3F9B] =	sst lr;
	_ =	strace $0xD0000000  }
0x3: {  	_ = 	snop  }
0x4: {  	_ = 	snop  }
0x5: {  	_ = 	snop  }
0x6: {  	_ = 	snop  }
0x7: {  	_ = 	snop  }
__scs_overlays_trampoline_lowered:
0x8: {  	[smem:$0x3FAA] =	sst s0  }
0x9: {  	[smem:$0x3FAB] =	sst s1  }
0xa: {  	[smem:$0x3FAC] =	sst s2  }
0xb: {  	[smem:$0x3FAD] =	sst s3  }
0xc: {  	[smem:$0x3FAE] =	sst s4  }
0xd: {  	[smem:$0x3FAF] =	sst s5  }
0xe: {  	[smem:$0x3FB0] =	sst s6  }
0xf: {  	[smem:$0x3FB1] =	sst s7  }
0x10: {  	[smem:$0x3FB2] =	sst s8  }
0x11: {  	[smem:$0x3FB3] =	sst s9;
	s0 =	simm.s32 @!p0 $0x0  }
0x12: {  	s1 =	sld [smem:$0x3F99];
	s0 =	simm.s32 @p0 $0x1  }
0x13: {  	[smem:$0x3FB4] =	sst s0;
	s0 =	simm.s32 @!p1 $0x0  }
0x14: {  	s2 =	sld [smem:$0x3F98];
	s0 =	simm.s32 @p1 $0x1  }
0x15: {  	[smem:$0x3FB5] =	sst s0;
	s0 =	simm.s32 @!p2 $0x0  }
0x16: {  	s3 =	sld [smem:$0x3FDB];
	s0 =	simm.s32 @p2 $0x1  }
0x17: {  	s4 =	simm.s32 $0x1BF5;
	[smem:$0x3FB7] =	sst s0  }
0x18: {  	s0 =	sld [smem:$0x3F9A];
	_ =	swait.ge [sflag:s4], $0x0  }
0x19: {  	s7 =	sld [smem:$0x3F9B]  }
0x1a: {  	s8 =	sadd.s32 $0xFFFFE003, lr  }
0x1b: {  	s9 =	sadd.s32 $0xFFFFFEF7, lr;
	s5 =	simm.s32 $0xFFFFFFFF;
	p2 =	slt.u32 s8, $0xFFFFF086  }
0x1c: {  	p1 =	slt.u32 s9, $0xF7A;
	s5 =	simm.s32 @!p2 $0x0  }
0x1d: {  	s5 =	simm.s32 @p1 $0x1;
	p0 =	seq.s32 s7, s2  }
0x1e: {  	s7 =	smul.u32 @!p0 $0xF7A, s2;
	p2 =	seq.s32 @!p0 s5, $0x0  }
0x1f: {  	s9 =	smul.u32 $0xF7A, s1;
	s8 =	simm.s32 @!p0 $0x1BF5;
	p2 =	por !p2, p0  }
0x20: {  	[sflag:s8] =	ssyncset.s32 @!p0 $0xFFFFF086;
	s6 =	sadd.s32 @!p0 s3, s7;
	s7 =	simm.s32 @!p0 $0x108  }
0x21: {  	s3 =	sadd.s32 s3, s9;
	s6 =	sadd.s32 @!p0 $0x88, s6;
	s7 =	simm.s32 @p2 $0x1082  }
0x22: {  	[simem:s7], [sflag:s8] =	dma.local @!p0 [hbm:s6], $0xF7A  }
0x23: {  	s9 =	sor.u32 $0xD0000000, s2;
	s6 =	simm.s32 $0x108;
	_ =	swait.ge @!p0 [sflag:s8], $0x0  }
0x24: {  	s3 =	sadd.s32 $0x88, s3;
	s6 =	simm.s32 @!p1 $0x1082;
	[sflag:s4] =	ssyncset.s32 $0xFFFFF086  }
0x25: {  	[simem:s6], [sflag:s4] =	dma.local [hbm:s3], $0xF7A  }
0x26: {  	[smem:$0x3F9B] =	sst s1;
	(tag) =	ssettag s2;
	_ =	strace s9  }
0x27: {  	s1 =	sld [smem:$0x3FAB]  }
0x28: {  	s2 =	sld [smem:$0x3FAC]  }
0x29: {  	s4 =	sld [smem:$0x3FAE]  }
0x2a: {  	p0 =	seq.s32 s5, $0x0;
	s5 =	sld [smem:$0x3FAF]  }
0x2b: {  	s6 =	sld [smem:$0x3FB0]  }
0x2c: {  	s7 =	sld [smem:$0x3FB1]  }
0x2d: {  	s3 =	simm.s32 $0x108;
	s8 =	sld [smem:$0x3FB2]  }
0x2e: {  	s3 =	simm.s32 @!p0 $0x1082;
	s9 =	sld [smem:$0x3FB3]  }
0x2f: {  	lr =	sadd.s32 s0, s3;
	s0 =	sld [smem:$0x3FAA]  }
0x30: {  	s3 =	sld [smem:$0x3FAD]  }
0x31: {  	[smem:$0x3FB6] =	sst s10  }
0x32: {  	s10 =	sld [smem:$0x3FB4];
	_ =	sdelay $0x3  }
0x33: {  	p0 =	seq.s32 s10, $0x1;
	s10 =	sld [smem:$0x3FB6];
	_ =	sdelay $0x3  }
0x34: {  	[smem:$0x3FB6] =	sst s10  }
0x35: {  	s10 =	sld [smem:$0x3FB5];
	_ =	sdelay $0x3  }
0x36: {  	p1 =	seq.s32 s10, $0x1;
	s10 =	sld [smem:$0x3FB6];
	_ =	sdelay $0x3  }
0x37: {  	[smem:$0x3FB6] =	sst s10  }
0x38: {  	s10 =	sld [smem:$0x3FB7]  }
0x39: {  	_ = 	snop;
	(pc) =	sbr.ind lr, $3  }
0x3a: {  	_ = 	snop  }
0x3b: {  	_ = 	snop  }
0x3c: {  	p2 =	seq.s32 s10, $0x1;
	s10 =	sld [smem:$0x3FB6]  }
0x3d: {  	_ =	shalt  }
0x3e: {  	_ =	shalt  }
0x3f: {  	_ =	shalt  }
0x40: {  	_ =	shalt  }
0x41: {  	_ =	shalt  }
0x42: {  	_ =	shalt  }
0x43: {  	_ =	shalt  }
0x44: {  	_ =	shalt  }
0x45: {  	_ =	shalt  }
0x46: {  	_ =	shalt  }
0x47: {  	_ =	shalt  }
0x48: {  	_ =	shalt  }
0x49: {  	_ =	shalt  }
0x4a: {  	_ =	shalt  }
0x4b: {  	_ =	shalt  }
0x4c: {  	_ =	shalt  }
0x4d: {  	_ =	shalt  }
0x4e: {  	_ =	shalt  }
0x4f: {  	_ =	shalt  }
0x50: {  	_ =	shalt  }
0x51: {  	_ =	shalt  }
0x52: {  	_ =	shalt  }
0x53: {  	_ =	shalt  }
0x54: {  	_ =	shalt  }
0x55: {  	_ =	shalt  }
0x56: {  	_ =	shalt  }
0x57: {  	_ =	shalt  }
0x58: {  	_ =	shalt  }
0x59: {  	_ =	shalt  }
0x5a: {  	_ =	shalt  }
0x5b: {  	_ =	shalt  }
0x5c: {  	_ =	shalt  }
0x5d: {  	_ =	shalt  }
0x5e: {  	_ =	shalt  }
0x5f: {  	_ =	shalt  }
0x60: {  	_ =	shalt  }
0x61: {  	_ =	shalt  }
0x62: {  	_ =	shalt  }
0x63: {  	_ =	shalt  }
0x64: {  	_ =	shalt  }
0x65: {  	_ =	shalt  }
0x66: {  	_ =	shalt  }
0x67: {  	_ =	shalt  }
0x68: {  	_ =	shalt  }
0x69: {  	_ =	shalt  }
0x6a: {  	_ =	shalt  }
0x6b: {  	_ =	shalt  }
0x6c: {  	_ =	shalt  }
0x6d: {  	_ =	shalt  }
0x6e: {  	_ =	shalt  }
0x6f: {  	_ =	shalt  }
0x70: {  	_ =	shalt  }
0x71: {  	_ =	shalt  }
0x72: {  	_ =	shalt  }
0x73: {  	_ =	shalt  }
0x74: {  	_ =	shalt  }
0x75: {  	_ =	shalt  }
0x76: {  	_ =	shalt  }
0x77: {  	_ =	shalt  }
0x78: {  	_ =	shalt  }
0x79: {  	_ =	shalt  }
0x7a: {  	_ =	shalt  }
0x7b: {  	_ =	shalt  }
0x7c: {  	_ =	shalt  }
0x7d: {  	_ =	shalt  }
0x7e: {  	_ =	shalt  }
0x7f: {  	_ =	shalt  }
0x80: {  	_ =	shalt  }
0x81: {  	_ =	shalt  }
0x82: {  	_ =	shalt  }
0x83: {  	_ =	shalt  }
0x84: {  	_ =	shalt  }
0x85: {  	_ =	shalt  }
0x86: {  	_ =	shalt  }
0x87: {  	_ =	shalt  }
.Lfunc_end0:
.L_simem_size_0:
called_computation_lowered:
.L_overlay_start_0:
0x88: {  	s2 =	sld [smem:$0x3FD9]  }
0x89: {  	s3 =	sld [smem:$0x3FFE];
	_ =	sdelay $0x1  }
0x8a: {  	s1 =	srdreg.scid  }
0x8b: {  	s0 =	sand.u32 $0x1, s1  }
0x8c: {  	s16 =	sshll.u32 s0, $0xA;
	s2 =	sadd.s32 s3, s2  }
0x8d: {  	s2 =	sadd.s32 s2, s16  }
0x8e: {  	[smem:$0x3FC2] =	sst s2  }
0x8f: {  	_ = 	snop  }
0x90: {  	(tm) =	ssettm $0x1  }
0x91: {  	s17 =	sld [smem:$0x3FFB];
	_ =	sdelay $0x3  }
0x92: {  	_ =	strace s17  }
0x93: {  	s2 =	sld [smem:$0x3FFC];
	_ =	sdelay $0x3  }
0x94: {  	_ =	strace s2  }
0x95: {  	s2 =	sld [smem:$0x3FFD];
	_ =	sdelay $0x3  }
0x96: {  	_ =	strace s2  }
0x97: {  	_ =	strace $0x8FFFFFFF  }
0x98: {  	s18 =	sld [smem:$0x3FDB];
	_ =	sdelay $0x1  }
0x99: {  	s19 =	simm.s32 $_scs_section_size  }
0x9a: {  	s4 =	simm.s32 $_size__tile_overlayer_lowered;
	s5 =	simm.s32 $_tile_overlayer_lowered  }
0x9b: {  	s22 =	simm.s32 $0x1BFF;
	s21 =	sshll.u32 s5, $0x1;
	s2 =	sadd.s32 s19, s18  }
0x9c: {  	s6 =	simm.s32 $0x0;
	s20 =	sshll.u32 s4, $0x1;
	s4 =	sadd.s32 s21, s2  }
0x9d: {  	[timem:s6], [sflag:s22] =	dma.local [hbm:s4], s20  }
0x9e: {  	_ =	swait.ge [sflag:s22], s20  }
0x9f: {  	s3 =	ssub.s32 $0x0, s20;
	[sflag:s22] =	ssyncset.done $0x0  }
0xa0: {  	[sflag:s22] =	ssyncadd.s32 s3;
	_ =	sdelay $0x1  }
0xa1: {  	s23 =	simm.s32 $0x1B8B  }
0xa2: {  	_ =	swait.ge [sflag:s23], $0x1  }
0xa3: {  	[sflag:s23] =	ssyncset.done $0x0  }
0xa4: {  	s25 =	simm.s32 $0x1B8E;
	s24 =	sld [smem:$0x3FFE];
	[sflag:s23] =	ssyncadd.s32 $0xFFFFFFFF  }
0xa5: {  	s26 =	simm.s32 $execute0_lowered;
	[smem:$0x3FD2] =	sst s25  }
0xa6: {  	s4 =	sshll.u32 s26, $0x1;
	_ =	strace $0x80000046;
	[dreg:$0x1] =	wrdreg $0xFFFFFFFF  }
0xa7: {  	s28 =	simm.s32 $_size_execute0_lowered;
	s2 =	sadd.s32 s2, s4;
	[dreg:$0x0] =	wrdreg $0x0  }
0xa8: {  	s4 =	sshll.u32 s28, $0x1;
	[dreg:$0x2] =	wrdreg s2  }
0xa9: {  	[dreg:$0x3] =	wrdreg s4  }
0xaa: {  	[dreg:$0x4] =	wrdreg $0xC0  }
0xab: {  	_ =	task [dreg:s6], $0x5FFFF  }
0xac: {  	[dreg:$0x1] =	wrdreg $0xFFFFFFFF  }
0xad: {  	[dreg:$0x0] =	wrdreg $0x60  }
0xae: {  	[dreg:$0x2] =	wrdreg s24  }
0xaf: {  	[dreg:$0x3] =	wrdreg $0x3C800  }
0xb0: {  	[dreg:$0x4] =	wrdreg $0x9  }
0xb1: {  	_ =	task.clear_ibuf [dreg:s6], $0x5FFFF;
	_ =	strace $0x90000046  }
0xb2: {  	s29 =	simm.s32 $0x9;
	_ =	strace $0x80000048  }
0xb3: {  	_ =	swait.ge [sflag:s29], $0x1  }
0xb4: {  	[sflag:s29] =	ssyncadd.s32 $0xFFFFFFFF  }
0xb5: {  	_ =	strace $0x90000048  }
0xb6: {  	_ =	sfence  }
0xb7: {  	s30 =	sld [smem:$0x0];
	_ =	sdelay $0x2  }
0xb8: {  	s31 =	sshll.u32 s1, $0xD;
	s1 =	sshrl.u32 s1, $0x2  }
0xb9: {  	s3 =	sand.u32 $0x4000, s31;
	s1 =	sadd.s32 s1, s30  }
0xba: {  	s0 =	sor.u32 s3, s0;
	s1 =	sshll.u32 s1, $0x11  }
0xbb: {  	s0 =	sor.u32 s1, s0  }
0xbc: {  	s0 =	sadd.s32 $0x8F2B, s0  }
0xbd: {  	[sflag:s0] =	ssyncadd.remote.s32 $0x1  }
0xbe: {  	_ =	sfence.sel $0xFFFF  }
0xbf: {  	[dreg:$0x0] =	wrdreg $0xFFFFFFFF;
	(pc) =	sbr.abs _section_cstart, $3  }
0xc0: {  	[dreg:$0x1] =	wrdreg $0xFFFFFFFF  }
0xc1: {  	_ =	task.clear_ibuf [dreg:s6], $0x2FFFF;
	_ =	strace $0x9FFFFFFF  }
0xc2: {  	(tm) =	ssettm $0x7FFFFFFF  }
0xc3: {  	_ =	shalt  }
tec
execute0_lowered:
.L_overlay_start_1:
0x0: {  	(tag) =	ssettag $0x1  }
0x1: {  	s6 =	rddreg [dreg:$0x0]  }
0x2: {  	s0 =	srdreg.scid;
	s2 =	rddreg [dreg:$0x1]  }
0x3: {  	s3 =	simm.s32 $0x0;
	s14 =	simm.s32 $0x50;
	s15 =	simm.s32 $0x0  }
0x4: {  	s5 =	sand.u32 $0x1, s0;
	s0 =	stileid.u32;
	[smem:$0x7FF] =	sst s3  }
0x5: {  	s1 =	sshll.u32 s5, $0x4;
	s7 =	smul.u32 $0x2800, s5;
	s9 =	sshll.u32 s0, $0xA  }
0x6: {  	s10 =	ssub.s32 $0x2, s5;
	s5 =	sadd.s32 $0x7400, s6;
	p0 =	sgt.u32 s0, $0x9  }
0x7: {  	s4 =	sor.u32 s0, s1;
	s1 =	rddreg [dreg:$0x2];
	_ =	strace $0x80000047  }
0x8: {  	s11 =	sshrl.u32 s10, $0x1;
	s13 =	sadd.s32 s9, s2;
	s12 =	sshll.u32 @!p0 s0, $0x6  }
0x9: {  	s4 =	smul.u32 $0x280, s4;
	s7 =	sadd.s32 s7, s9;
	s10 =	ssub.s32 s10, s11  }
0xa: {  	s9 =	simm.s32 $0x1;
	s11 =	simm.s32 $0x3C00;
	s12 =	sor.u32 @!p0 $0x1C01, s12  }
0xb: {  	s13 =	sshrl.u32 @!p0 s13, $0x3;
	s7 =	sshrl.u32 s7, $0x3;
	s8 =	sadd.s32 s4, s6  }
0xc: {  	s4 =	sadd.s32 $0x7200, s6;
	s7 =	sadd.s32 s7, s6;
	s6 =	sadd.s32 $0x2200, s8  }
0xd: {  	v0 =	vimm.f32 $1.000000000e+00;
	s7 =	sadd.s32 $0x7A00, s7;
	s8 =	smax.u32 s10, $0x1;
	s10 =	simm.s32 $0x1400  }
.LBB2_1:
0xe: {  	[tilespmem:s3], [sflag:$0x1] =	stream.linear.gather [hbm4b:s6+s3], $0x1400, $0x38;
	[tilespmem:$0x3F00] =	vst v63  }
0xf: {  	_ =	swait.ge [sflag:s9], $0x1400  }
0x10: {  	[sflag:s9] =	ssyncset.done $0x0  }
0x11: {  	[sflag:s9] =	ssyncadd.s32 $0xFFFFEC00  }
0x12: {  	[tilespmem:s10], [sflag:$0x1] =	stream.linear.gather [hbm4b:s5+s3], $0x2800, $0x38;
	[tilespmem:$0x3F00] =	vst v63  }
0x13: {  	_ =	swait.ge [sflag:s9], $0x2800  }
0x14: {  	[sflag:s9] =	ssyncset.done $0x0  }
0x15: {  	[sflag:s9] =	ssyncadd.s32 $0xFFFFD800  }
0x16: {  	[tilespmem:s11], [sflag:$0x1] =	stream.linear.gather [hbm4b:s4+s3], $0x80, $0x38;
	[tilespmem:$0x3F00] =	vst v63  }
0x17: {  	_ =	swait.ge [sflag:s9], $0x80  }
0x18: {  	[sflag:s9] =	ssyncset.done $0x0  }
0x19: {  	s16 =	simm.s32 @!p0 $0x1;
	[sflag:s9] =	ssyncadd.s32 $0xFFFFFF80  }
0x1a: {  	[spmem:s13], [sflag:s12] =	dma.local @!p0 [hbm:s5], $0x80  }
0x1b: {  	_ =	swait.ge @!p0 [sflag:s16], $0x80  }
0x1c: {  	[sflag:s16] =	ssyncset.done @!p0 $0x0  }
0x1d: {  	[sflag:s16] =	ssyncadd.s32 @!p0 $0xFFFFFF80  }
0x1e: {  	s16 =	simm.s32 $0x0;
	[bflag:$0x0] =	sbarrier.arrive $0xFFFF  }
.LBB2_2:
0x1f: {  	s17 =	sshra.s32 s16, $0x2  }
0x20: {  	v1 =	vld [tilespmem:s17+$0x0];
	_ =	sdelay $0x7  }
0x21: {  	[tilespmem:v1+s10+$0x0] =	vst.idx.add.f32.msk $0xffff, v0  }
0x22: {  	v1 =	vld [tilespmem:s17+$0x10];
	_ =	sdelay $0x7  }
0x23: {  	[tilespmem:v1+s10+$0x0] =	vst.idx.add.f32.msk $0xffff, v0  }
0x24: {  	v1 =	vld [tilespmem:s17+$0x20];
	_ =	sdelay $0x7  }
0x25: {  	[tilespmem:v1+s10+$0x0] =	vst.idx.add.f32.msk $0xffff, v0  }
0x26: {  	v1 =	vld [tilespmem:s17+$0x30];
	_ =	sdelay $0x7  }
0x27: {  	[tilespmem:v1+s10+$0x0] =	vst.idx.add.f32.msk $0xffff, v0  }
0x28: {  	v1 =	vld [tilespmem:s17+$0x40];
	_ =	sdelay $0x7  }
0x29: {  	[tilespmem:v1+s10+$0x0] =	vst.idx.add.f32.msk $0xffff, v0  }
0x2a: {  	v1 =	vld [tilespmem:s17+$0x50];
	_ =	sdelay $0x7  }
0x2b: {  	[tilespmem:v1+s10+$0x0] =	vst.idx.add.f32.msk $0xffff, v0  }
0x2c: {  	v1 =	vld [tilespmem:s17+$0x60];
	_ =	sdelay $0x7  }
0x2d: {  	[tilespmem:v1+s10+$0x0] =	vst.idx.add.f32.msk $0xffff, v0  }
0x2e: {  	v1 =	vld [tilespmem:s17+$0x70];
	_ =	sdelay $0x2  }
0x2f: {  	p1 =	sne.s32 s16, $0x4E00  }
.Ltmp0:
0x30: {  	_ = 	snop;
	(pc) =	sbr.rel @p1 .LBB2_2-.Ltmp0, $2  }
0x31: {  	_ =	sdelay $0x2  }
0x32: {  	s16 =	sadd.s32 $0x200, s16;
	[tilespmem:v1+s10+$0x0] =	vst.idx.add.f32.msk $0xffff, v0  }
0x33: {  	[spmem:s2] =	stream.indirect.scatter.add.f32 [tilespmem:s10], [sflag:$0x1], $0x80, s11, s14, $0xb8;
	[tilespmem:$0x3F00] =	vst v63  }
0x34: {  	_ =	swait.ge [sflag:s9], $0x2800  }
0x35: {  	s15 =	sadd.s32 $0x1, s15;
	[sflag:s9] =	ssyncset.done $0x0  }
0x36: {  	p1 =	sne.s32 s15, s8;
	[sflag:s9] =	ssyncadd.s32 $0xFFFFD800  }
.Ltmp1:
0x37: {  	s16 =	simm.s32 @!p0 $0x1;
	[bflag:$0x0] =	sbarrier.arrive $0xFFFF;
	(pc) =	sbr.rel @p1 .LBB2_1-.Ltmp1, $4  }
0x38: {  	[hbm:s7], [sflag:s12] =	dma.local @!p0 [spmem:s13], $0x80  }
0x39: {  	_ =	swait.ge @!p0 [sflag:s16], $0x80  }
0x3a: {  	[sflag:s16] =	ssyncset.done @!p0 $0x0  }
0x3b: {  	[sflag:s16] =	ssyncadd.s32 @!p0 $0xFFFFFF80  }
0x3c: {  	_ =	sfence.sel $0x180000  }
0x3d: {  	[bflag:$0x0] =	sbarrier.arrive $0xFFFF  }
0x3e: {  	p0 =	sne.s32 s0, $0x0;
	_ =	strace $0x90000047  }
0x3f: {  	s0 =	sadd.s32 @!p0 $0x100000, s1;
	[bflag:$0x2] =	sbarrier.arrive $0xFFFF  }
0x40: {  	[sflag:s0] =	ssyncadd.tile.s32 @!p0 $0x1;
	_ =	shalt  }
.Lfunc_end2:
_tile_overlayer_lowered:
.L_overlay_start_2:
0x41: {  	(tag) =	ssettag $0x2  }
0x42: {  	s0 =	rddreg [dreg:$0x0];
	s2 =	stileid.u32  }
0x43: {  	s1 =	rddreg [dreg:$0x1];
	p0 =	sne.s32 s2, $0x0  }
0x44: {  	s3 =	rddreg [dreg:$0x2];
	[bflag:$0x3] =	sbarrier.arrive $0xFFFF;
	s2 =	simm.s32 @!p0 $0x1C01  }
0x45: {  	[timem:s3], [sflag:s2] =	dma.local @!p0 [hbm:s0], s1  }
0x46: {  	s0 =	simm.s32 @!p0 $0x1  }
0x47: {  	_ =	swait.ge @!p0 [sflag:s0], s1  }
0x48: {  	s1 =	ssub.s32 @!p0 $0x0, s1;
	[sflag:s0] =	ssyncset.done @!p0 $0x0  }
0x49: {  	[sflag:s0] =	ssyncadd.s32 @!p0 s1  }
0x4a: {  	[bflag:$0x3] =	sbarrier.arrive $0xFFFF  }
0x4b: {  	_ =	shalt  }

</sc_bundles>
